<compile_context>
chip_gen: v7x
topology: tpu7x:2x2x1
jax: 0.10.2.dev20260603
libtpu: 0.0.44.dev20260713+nightly
codegen_flags: <defaults>
</compile_context>

<pallas_src>
import functools

import jax
import jax.numpy as jnp
from jax import lax
from jax.experimental import pallas as pl
from jax.experimental.pallas import tpu as pltpu
from jax.experimental.pallas import tpu_sc as plsc

NUM_USERS = 100000
EMBED_DIM = 64
BATCH = 4096

_info = plsc.get_sparse_core_info()
_NC, _NS, _L = _info.num_cores, _info.num_subcores, _info.num_lanes
_NW = _NC * _NS
_CW = 512
_NCH = (NUM_USERS + _CW - 1) // _CW
_LASTW = NUM_USERS - (_NCH - 1) * _CW - 128
_CH_LO = _NCH // _NW
_CH_EXTRA = _NCH - _CH_LO * _NW
_NRB = 16
_NBUF = 3


def _make_gather():
    mesh = plsc.VectorSubcoreMesh(core_axis_name="c", subcore_axis_name="s")

    @functools.partial(
        pl.kernel,
        mesh=mesh,
        out_type=jax.ShapeDtypeStruct((BATCH * EMBED_DIM,), jnp.float32),
        scratch_types=[
            pltpu.VMEM((BATCH,), jnp.int32),
            pltpu.VMEM((BATCH,), jnp.int32),
            pltpu.VMEM((BATCH,), jnp.int32),
            pltpu.VMEM((BATCH,), jnp.int32),
            pltpu.VMEM((BATCH,), jnp.int32),
            pltpu.VMEM((_NBUF, EMBED_DIM, _CW), jnp.float32),
            pltpu.VMEM((_NRB * EMBED_DIM,), jnp.float32),
            pltpu.SemaphoreType.DMA,
            pltpu.SemaphoreType.DMA,
        ],
        compiler_params=pltpu.CompilerParams(needs_layout_passes=False),
    )
    def gather_kernel(idx_hbm, tab_t_hbm, tail_hbm, out_hbm, idx_v, my_b,
                      my_c, my_l, blk_v, tblk, rowring, sem_in, sem_out):
        wid = lax.axis_index("s") * _NC + lax.axis_index("c")
        nch = jnp.where(wid < _CH_EXTRA, _CH_LO + 1, _CH_LO)
        lo = wid * _CH_LO + jnp.minimum(wid, _CH_EXTRA)

        def start_blk(i):
            par = jax.lax.rem(i, jnp.int32(_NBUF))
            cblk = lo + i
            coff = pl.multiple_of(cblk * _CW, 128)

            @pl.when(cblk == _NCH - 1)
            def _():
                pltpu.async_copy(tab_t_hbm.at[:, pl.ds(coff, 128)],
                                 tblk.at[par, :, pl.ds(0, 128)], sem_in)
                pltpu.async_copy(tail_hbm,
                                 tblk.at[par, :, pl.ds(128, 128)], sem_in)

            @pl.when(cblk != _NCH - 1)
            def _():
                pltpu.async_copy(tab_t_hbm.at[:, pl.ds(coff, _CW)],
                                 tblk.at[par], sem_in)

        def prime_body(i, _):
            @pl.when(i < nch)
            def _():
                start_blk(i)
            return ()

        lax.fori_loop(0, _NBUF - 1, prime_body, (), unroll=True)

        pltpu.sync_copy(idx_hbm, idx_v)

        lane = lax.iota(jnp.int32, _L)
        one_v = jnp.full((_L,), 1, jnp.int32)
        zero_v = jnp.full((_L,), 0, jnp.int32)
        sent_v = jnp.full((_L,), _L, jnp.int32)

        def scan_body(v, off):
            vec = idx_v[pl.ds(v * _L, _L)]
            c = jax.lax.shift_right_logical(vec, 9)
            low = jnp.bitwise_and(vec, _CW - 1)
            b = lane + v * _L
            m = jnp.logical_and(c >= lo, c < lo + nch)
            m01 = jnp.where(m, one_v, zero_v)
            incl = plsc.cumsum(m01)
            pos = jnp.full((_L,), off, jnp.int32) + incl - m01
            plsc.store_scatter(my_b, [pos], b, mask=m)
            plsc.store_scatter(my_c, [pos], c, mask=m)
            plsc.store_scatter(my_l, [pos], low, mask=m)
            return off + jnp.sum(m01)

        m_total = lax.fori_loop(0, BATCH // _L, scan_body, jnp.int32(0),
                                unroll=4)
        nvec = (m_total + _L - 1) // _L

        def col_body(i, u_tot):
            par = jax.lax.rem(i, jnp.int32(_NBUF))

            @pl.when(i + _NBUF - 1 < nch)
            def _():
                start_blk(i + _NBUF - 1)

            @pl.when((lo + i) == _NCH - 1)
            def _():
                pltpu.make_async_copy(
                    tab_t_hbm.at[:, pl.ds(0, 256)],
                    tblk.at[par, :, pl.ds(0, 256)], sem_in
                ).wait()

            @pl.when((lo + i) != _NCH - 1)
            def _():
                pltpu.make_async_copy(
                    tab_t_hbm.at[:, pl.ds(0, _CW)], tblk.at[par], sem_in
                ).wait()
            cblk = lo + i
            par_v = jnp.full((_L,), par, jnp.int32)

            def match_body(v, off2):
                cvec = my_c[pl.ds(v * _L, _L)]
                bvec = my_b[pl.ds(v * _L, _L)]
                lvec = my_l[pl.ds(v * _L, _L)]
                valid = (lane + v * _L) < m_total
                m = jnp.logical_and(cvec == cblk, valid)
                m01 = jnp.where(m, one_v, zero_v)
                incl = plsc.cumsum(m01)
                pos = jnp.full((_L,), off2, jnp.int32) + incl - m01
                packed = jnp.bitwise_or(jnp.left_shift(bvec, 9), lvec)
                plsc.store_scatter(blk_v, [pos], packed, mask=m)
                return off2 + jnp.sum(m01)

            cnt = lax.fori_loop(0, nvec, match_body, jnp.int32(0),
                                unroll=False)

            def emit_one(j, state):
                u, drained = state
                vspl = plsc.load_gather(blk_v, [jnp.full((_L,), j, jnp.int32)])
                lspl = jnp.bitwise_and(vspl, _CW - 1)
                b0 = jnp.right_shift(vspl[0], 9)
                slot = jax.lax.rem(u, jnp.int32(_NRB))

                @pl.when(jnp.logical_and(slot == 0, u >= _NRB))
                def _():
                    pltpu.make_async_copy(
                        out_hbm.at[pl.ds(0, _NRB * EMBED_DIM)],
                        rowring,
                        sem_out,
                    ).wait()

                roff = pl.multiple_of(slot * EMBED_DIM, 8)
                for g in range(EMBED_DIM // _L):
                    dvec = lane + g * _L
                    col = plsc.load_gather(tblk, [par_v, dvec, lspl])
                    rowring[pl.ds(roff + g * _L, _L)] = col
                boff = pl.multiple_of(b0 * EMBED_DIM, 8)
                pltpu.async_copy(
                    rowring.at[pl.ds(roff, EMBED_DIM)],
                    out_hbm.at[pl.ds(boff, EMBED_DIM)],
                    sem_out,
                )
                drained = jnp.where(
                    jnp.logical_and(slot == 0, u >= _NRB),
                    drained + _NRB, drained)
                return u + 1, drained

            return lax.fori_loop(0, cnt, emit_one, u_tot, unroll=False)

        u_tot, drained = lax.fori_loop(
            0, nch, col_body, (jnp.int32(0), jnp.int32(0)), unroll=False)

        def drain_body(_, __):
            pltpu.make_async_copy(
                out_hbm.at[pl.ds(0, EMBED_DIM)],
                rowring.at[pl.ds(0, EMBED_DIM)],
                sem_out,
            ).wait()
            return ()

        lax.fori_loop(0, u_tot - drained, drain_body, (), unroll=False)

    return gather_kernel


_gather = _make_gather()


def kernel(user_idx, table):
    tail_pad = jnp.pad(table[(_NCH - 1) * _CW + 128:].T,
                       ((0, 0), (0, 128 - _LASTW)))
    out1d = _gather(user_idx.astype(jnp.int32), table.T, tail_pad)
    return out1d.reshape(BATCH, EMBED_DIM)

# --- scband reference (transcript-rebuilt; emitter-appended) ---
"""Pipeline reference for scband-user-embeddings-841813590032 (READ-ONLY COPY).

The authoritative reference and input builder live on the scoring server;
editing this copy changes nothing except your own understanding.
"""

import jax, jax.numpy as jnp
import numpy as np

NUM_USERS = 100000
EMBED_DIM = 64
BATCH = 4096

def setup_inputs(seed: int = 0) -> dict:
    key = jax.random.key(seed)
    k_idx, k_tab = jax.random.split(key)
    user_idx = jax.random.randint(k_idx, (BATCH,), 0, NUM_USERS, dtype=jnp.int64 if jax.config.jax_enable_x64 else jnp.int32)
    table = jax.random.normal(k_tab, (NUM_USERS, EMBED_DIM), dtype=jnp.float32)
    return {"user_idx": user_idx, "table": table}

def reference(user_idx, table):
    # nn.Embedding forward: gather rows of the table by index
    embed = jnp.take(table, user_idx, axis=0)
    return embed

if __name__ == "__main__":
    import jax
    _d = setup_inputs()
    print(jax.jit(kernel)(*tuple(_d.values())))

</pallas_src>

<mosaic_0001>
#map = affine_map<(d0, d1) -> (0)>
#map1 = affine_map<(d0, d1) -> (0, 0)>
module attributes {stable_mosaic.version = 14 : i64} {
  func.func @gather_kernel(%arg0: i32, %arg1: i32, %arg2: memref<4096xi32, #tpu.memory_space<hbm>>, %arg3: memref<64x100000xf32, #tpu.memory_space<hbm>>, %arg4: memref<64x128xf32, #tpu.memory_space<hbm>>, %arg5: memref<262144xf32, #tpu.memory_space<hbm>>, %arg6: memref<4096xi32, #tpu.memory_space<vmem>>, %arg7: memref<4096xi32, #tpu.memory_space<vmem>>, %arg8: memref<4096xi32, #tpu.memory_space<vmem>>, %arg9: memref<4096xi32, #tpu.memory_space<vmem>>, %arg10: memref<4096xi32, #tpu.memory_space<vmem>>, %arg11: memref<3x64x512xf32, #tpu.memory_space<vmem>>, %arg12: memref<1024xf32, #tpu.memory_space<vmem>>, %arg13: memref<!tpu.dma_semaphore, #tpu.memory_space<semaphore_mem>>, %arg14: memref<!tpu.dma_semaphore, #tpu.memory_space<semaphore_mem>>) attributes {dimension_semantics = [#tpu.dimension_semantics<core_parallel>, #tpu.dimension_semantics<subcore_parallel>], iteration_bounds = array<i64: 2, 16>, scalar_prefetch = 0 : i64, scratch_operands = 9 : i64, tpu.core_type = #tpu.core_type<sc_vector_subcore>, window_params = [{transform_indices = #map}, {transform_indices = #map1}, {transform_indices = #map1}, {transform_indices = #map}]} {
    %mul3A = arith.constant 2 : i32
    %mul3A_0 = arith.muli %arg1, %mul3A : i32
    %add3A = arith.addi %mul3A_0, %arg0 : i32
    %lt3A = arith.constant 4 : i32
    %lt3A_1 = arith.cmpi slt, %add3A, %lt3A : i32
    %jit3A = arith.constant 7 : i32
    %jit3A_2 = arith.constant 6 : i32
    %select_n3A = arith.select %lt3A_1, %jit3A, %jit3A_2 : i32
    %mul3A_3 = arith.constant 6 : i32
    %mul3A_4 = arith.muli %add3A, %mul3A_3 : i32
    %min3A = arith.constant 4 : i32
    %min3A_5 = arith.minsi %add3A, %min3A : i32
    %add3A_6 = arith.addi %mul3A_4, %min3A_5 : i32
    %scan3A = arith.constant 0 : i32
    %lt3A_7 = arith.cmpi slt, %scan3A, %select_n3A : i32
    %convert_element_type3A = arith.extui %lt3A_7 : i1 to i32
    %cond3A = arith.constant 0 : i32
    %cond3A_8 = arith.cmpi ne, %convert_element_type3A, %cond3A : i32
    scf.if %cond3A_8 {
      %rem3A_71 = arith.constant 3 : i32
      %rem3A_72 = arith.remsi %scan3A, %rem3A_71 : i32
      %add3A_73 = arith.addi %add3A_6, %scan3A : i32
      %mul3A_74 = arith.constant 512 : i32
      %mul3A_75 = arith.muli %add3A_73, %mul3A_74 : i32
      %multiple_of3A = tpu.assume_multiple %mul3A_75, 128 : i32
      %eq3A = arith.constant 195 : i32
      %eq3A_76 = arith.cmpi eq, %add3A_73, %eq3A : i32
      %convert_element_type3A_77 = arith.extui %eq3A_76 : i1 to i32
      %cond3A_78 = arith.constant 0 : i32
      %cond3A_79 = arith.cmpi ne, %convert_element_type3A_77, %cond3A_78 : i32
      scf.if %cond3A_79 {
        %dma_start3A = arith.constant 0 : i32
        %dma_start3A_85 = arith.constant 0 : i32
        %dma_start3A_86 = tpu.memref_slice %arg11[%rem3A_72, %dma_start3A, %dma_start3A_85] : memref<3x64x512xf32, #tpu.memory_space<vmem>> -> memref<1x64x128xf32, #tpu.memory_space<vmem>>
        %dma_start3A_87 = tpu.memref_squeeze %dma_start3A_86 : memref<1x64x128xf32, #tpu.memory_space<vmem>> -> memref<64x128xf32, #tpu.memory_space<vmem>>
        %dma_start3A_88 = arith.constant 0 : i32
        %dma_start3A_89 = tpu.memref_slice %arg3[%dma_start3A_88, %multiple_of3A] : memref<64x100000xf32, #tpu.memory_space<hbm>> -> memref<64x128xf32, #tpu.memory_space<hbm>>
        %dma_start3A_90 = arith.constant 0 : i32
        %dma_start3A_91 = arith.constant 0 : i32
        %dma_start3A_92 = tpu.memref_slice %arg11[%rem3A_72, %dma_start3A_90, %dma_start3A_91] : memref<3x64x512xf32, #tpu.memory_space<vmem>> -> memref<1x64x128xf32, #tpu.memory_space<vmem>>
        %dma_start3A_93 = tpu.memref_squeeze %dma_start3A_92 : memref<1x64x128xf32, #tpu.memory_space<vmem>> -> memref<64x128xf32, #tpu.memory_space<vmem>>
        %dma_start3A_94 = arith.constant 0 : i32
        %dma_start3A_95 = tpu.memref_slice %arg3[%dma_start3A_94, %multiple_of3A] : memref<64x100000xf32, #tpu.memory_space<hbm>> -> memref<64x128xf32, #tpu.memory_space<hbm>>
        tpu.enqueue_dma source(%dma_start3A_95 : memref<64x128xf32, #tpu.memory_space<hbm>>) target(%dma_start3A_93 : memref<64x128xf32, #tpu.memory_space<vmem>>) target_semaphore(%arg13 : memref<!tpu.dma_semaphore, #tpu.memory_space<semaphore_mem>>)
        %dma_start3A_96 = arith.constant 0 : i32
        %dma_start3A_97 = arith.constant 128 : i32
        %dma_start3A_98 = tpu.memref_slice %arg11[%rem3A_72, %dma_start3A_96, %dma_start3A_97] : memref<3x64x512xf32, #tpu.memory_space<vmem>> -> memref<1x64x128xf32, #tpu.memory_space<vmem>>
        %dma_start3A_99 = tpu.memref_squeeze %dma_start3A_98 : memref<1x64x128xf32, #tpu.memory_space<vmem>> -> memref<64x128xf32, #tpu.memory_space<vmem>>
        %dma_start3A_100 = arith.constant 0 : i32
        %dma_start3A_101 = arith.constant 128 : i32
        %dma_start3A_102 = tpu.memref_slice %arg11[%rem3A_72, %dma_start3A_100, %dma_start3A_101] : memref<3x64x512xf32, #tpu.memory_space<vmem>> -> memref<1x64x128xf32, #tpu.memory_space<vmem>>
        %dma_start3A_103 = tpu.memref_squeeze %dma_start3A_102 : memref<1x64x128xf32, #tpu.memory_space<vmem>> -> memref<64x128xf32, #tpu.memory_space<vmem>>
        tpu.enqueue_dma source(%arg4 : memref<64x128xf32, #tpu.memory_space<hbm>>) target(%dma_start3A_103 : memref<64x128xf32, #tpu.memory_space<vmem>>) target_semaphore(%arg13 : memref<!tpu.dma_semaphore, #tpu.memory_space<semaphore_mem>>)
      } else {
      }
      %ne3A_80 = arith.constant 195 : i32
      %ne3A_81 = arith.cmpi ne, %add3A_73, %ne3A_80 : i32
      %convert_element_type3A_82 = arith.extui %ne3A_81 : i1 to i32
      %cond3A_83 = arith.constant 0 : i32
      %cond3A_84 = arith.cmpi ne, %convert_element_type3A_82, %cond3A_83 : i32
      scf.if %cond3A_84 {
        %dma_start3A = arith.constant 0 : i32
        %dma_start3A_85 = arith.constant 0 : i32
        %dma_start3A_86 = tpu.memref_slice %arg11[%rem3A_72, %dma_start3A, %dma_start3A_85] : memref<3x64x512xf32, #tpu.memory_space<vmem>> -> memref<1x64x512xf32, #tpu.memory_space<vmem>>
        %dma_start3A_87 = tpu.memref_squeeze %dma_start3A_86 : memref<1x64x512xf32, #tpu.memory_space<vmem>> -> memref<64x512xf32, #tpu.memory_space<vmem>>
        %dma_start3A_88 = arith.constant 0 : i32
        %dma_start3A_89 = tpu.memref_slice %arg3[%dma_start3A_88, %multiple_of3A] : memref<64x100000xf32, #tpu.memory_space<hbm>> -> memref<64x512xf32, #tpu.memory_space<hbm>>
        %dma_start3A_90 = arith.constant 0 : i32
        %dma_start3A_91 = arith.constant 0 : i32
        %dma_start3A_92 = tpu.memref_slice %arg11[%rem3A_72, %dma_start3A_90, %dma_start3A_91] : memref<3x64x512xf32, #tpu.memory_space<vmem>> -> memref<1x64x512xf32, #tpu.memory_space<vmem>>
        %dma_start3A_93 = tpu.memref_squeeze %dma_start3A_92 : memref<1x64x512xf32, #tpu.memory_space<vmem>> -> memref<64x512xf32, #tpu.memory_space<vmem>>
        %dma_start3A_94 = arith.constant 0 : i32
        %dma_start3A_95 = tpu.memref_slice %arg3[%dma_start3A_94, %multiple_of3A] : memref<64x100000xf32, #tpu.memory_space<hbm>> -> memref<64x512xf32, #tpu.memory_space<hbm>>
        tpu.enqueue_dma source(%dma_start3A_95 : memref<64x512xf32, #tpu.memory_space<hbm>>) target(%dma_start3A_93 : memref<64x512xf32, #tpu.memory_space<vmem>>) target_semaphore(%arg13 : memref<!tpu.dma_semaphore, #tpu.memory_space<semaphore_mem>>)
      } else {
      }
    } else {
    }
    %scan3A_9 = arith.constant 1 : i32
    %lt3A_10 = arith.cmpi slt, %scan3A_9, %select_n3A : i32
    %convert_element_type3A_11 = arith.extui %lt3A_10 : i1 to i32
    %cond3A_12 = arith.constant 0 : i32
    %cond3A_13 = arith.cmpi ne, %convert_element_type3A_11, %cond3A_12 : i32
    scf.if %cond3A_13 {
      %rem3A_71 = arith.constant 3 : i32
      %rem3A_72 = arith.remsi %scan3A_9, %rem3A_71 : i32
      %add3A_73 = arith.addi %add3A_6, %scan3A_9 : i32
      %mul3A_74 = arith.constant 512 : i32
      %mul3A_75 = arith.muli %add3A_73, %mul3A_74 : i32
      %multiple_of3A = tpu.assume_multiple %mul3A_75, 128 : i32
      %eq3A = arith.constant 195 : i32
      %eq3A_76 = arith.cmpi eq, %add3A_73, %eq3A : i32
      %convert_element_type3A_77 = arith.extui %eq3A_76 : i1 to i32
      %cond3A_78 = arith.constant 0 : i32
      %cond3A_79 = arith.cmpi ne, %convert_element_type3A_77, %cond3A_78 : i32
      scf.if %cond3A_79 {
        %dma_start3A = arith.constant 0 : i32
        %dma_start3A_85 = arith.constant 0 : i32
        %dma_start3A_86 = tpu.memref_slice %arg11[%rem3A_72, %dma_start3A, %dma_start3A_85] : memref<3x64x512xf32, #tpu.memory_space<vmem>> -> memref<1x64x128xf32, #tpu.memory_space<vmem>>
        %dma_start3A_87 = tpu.memref_squeeze %dma_start3A_86 : memref<1x64x128xf32, #tpu.memory_space<vmem>> -> memref<64x128xf32, #tpu.memory_space<vmem>>
        %dma_start3A_88 = arith.constant 0 : i32
        %dma_start3A_89 = tpu.memref_slice %arg3[%dma_start3A_88, %multiple_of3A] : memref<64x100000xf32, #tpu.memory_space<hbm>> -> memref<64x128xf32, #tpu.memory_space<hbm>>
        %dma_start3A_90 = arith.constant 0 : i32
        %dma_start3A_91 = arith.constant 0 : i32
        %dma_start3A_92 = tpu.memref_slice %arg11[%rem3A_72, %dma_start3A_90, %dma_start3A_91] : memref<3x64x512xf32, #tpu.memory_space<vmem>> -> memref<1x64x128xf32, #tpu.memory_space<vmem>>
        %dma_start3A_93 = tpu.memref_squeeze %dma_start3A_92 : memref<1x64x128xf32, #tpu.memory_space<vmem>> -> memref<64x128xf32, #tpu.memory_space<vmem>>
        %dma_start3A_94 = arith.constant 0 : i32
        %dma_start3A_95 = tpu.memref_slice %arg3[%dma_start3A_94, %multiple_of3A] : memref<64x100000xf32, #tpu.memory_space<hbm>> -> memref<64x128xf32, #tpu.memory_space<hbm>>
        tpu.enqueue_dma source(%dma_start3A_95 : memref<64x128xf32, #tpu.memory_space<hbm>>) target(%dma_start3A_93 : memref<64x128xf32, #tpu.memory_space<vmem>>) target_semaphore(%arg13 : memref<!tpu.dma_semaphore, #tpu.memory_space<semaphore_mem>>)
        %dma_start3A_96 = arith.constant 0 : i32
        %dma_start3A_97 = arith.constant 128 : i32
        %dma_start3A_98 = tpu.memref_slice %arg11[%rem3A_72, %dma_start3A_96, %dma_start3A_97] : memref<3x64x512xf32, #tpu.memory_space<vmem>> -> memref<1x64x128xf32, #tpu.memory_space<vmem>>
        %dma_start3A_99 = tpu.memref_squeeze %dma_start3A_98 : memref<1x64x128xf32, #tpu.memory_space<vmem>> -> memref<64x128xf32, #tpu.memory_space<vmem>>
        %dma_start3A_100 = arith.constant 0 : i32
        %dma_start3A_101 = arith.constant 128 : i32
        %dma_start3A_102 = tpu.memref_slice %arg11[%rem3A_72, %dma_start3A_100, %dma_start3A_101] : memref<3x64x512xf32, #tpu.memory_space<vmem>> -> memref<1x64x128xf32, #tpu.memory_space<vmem>>
        %dma_start3A_103 = tpu.memref_squeeze %dma_start3A_102 : memref<1x64x128xf32, #tpu.memory_space<vmem>> -> memref<64x128xf32, #tpu.memory_space<vmem>>
        tpu.enqueue_dma source(%arg4 : memref<64x128xf32, #tpu.memory_space<hbm>>) target(%dma_start3A_103 : memref<64x128xf32, #tpu.memory_space<vmem>>) target_semaphore(%arg13 : memref<!tpu.dma_semaphore, #tpu.memory_space<semaphore_mem>>)
      } else {
      }
      %ne3A_80 = arith.constant 195 : i32
      %ne3A_81 = arith.cmpi ne, %add3A_73, %ne3A_80 : i32
      %convert_element_type3A_82 = arith.extui %ne3A_81 : i1 to i32
      %cond3A_83 = arith.constant 0 : i32
      %cond3A_84 = arith.cmpi ne, %convert_element_type3A_82, %cond3A_83 : i32
      scf.if %cond3A_84 {
        %dma_start3A = arith.constant 0 : i32
        %dma_start3A_85 = arith.constant 0 : i32
        %dma_start3A_86 = tpu.memref_slice %arg11[%rem3A_72, %dma_start3A, %dma_start3A_85] : memref<3x64x512xf32, #tpu.memory_space<vmem>> -> memref<1x64x512xf32, #tpu.memory_space<vmem>>
        %dma_start3A_87 = tpu.memref_squeeze %dma_start3A_86 : memref<1x64x512xf32, #tpu.memory_space<vmem>> -> memref<64x512xf32, #tpu.memory_space<vmem>>
        %dma_start3A_88 = arith.constant 0 : i32
        %dma_start3A_89 = tpu.memref_slice %arg3[%dma_start3A_88, %multiple_of3A] : memref<64x100000xf32, #tpu.memory_space<hbm>> -> memref<64x512xf32, #tpu.memory_space<hbm>>
        %dma_start3A_90 = arith.constant 0 : i32
        %dma_start3A_91 = arith.constant 0 : i32
        %dma_start3A_92 = tpu.memref_slice %arg11[%rem3A_72, %dma_start3A_90, %dma_start3A_91] : memref<3x64x512xf32, #tpu.memory_space<vmem>> -> memref<1x64x512xf32, #tpu.memory_space<vmem>>
        %dma_start3A_93 = tpu.memref_squeeze %dma_start3A_92 : memref<1x64x512xf32, #tpu.memory_space<vmem>> -> memref<64x512xf32, #tpu.memory_space<vmem>>
        %dma_start3A_94 = arith.constant 0 : i32
        %dma_start3A_95 = tpu.memref_slice %arg3[%dma_start3A_94, %multiple_of3A] : memref<64x100000xf32, #tpu.memory_space<hbm>> -> memref<64x512xf32, #tpu.memory_space<hbm>>
        tpu.enqueue_dma source(%dma_start3A_95 : memref<64x512xf32, #tpu.memory_space<hbm>>) target(%dma_start3A_93 : memref<64x512xf32, #tpu.memory_space<vmem>>) target_semaphore(%arg13 : memref<!tpu.dma_semaphore, #tpu.memory_space<semaphore_mem>>)
      } else {
      }
    } else {
    }
    %scan3A_14 = arith.constant 2 : i32
    "tpu.region"() ({
      %run_scoped3A = tpu.sem_alloc : memref<!tpu.dma_semaphore, #tpu.memory_space<semaphore_mem>>
      tpu.enqueue_dma source(%arg2 : memref<4096xi32, #tpu.memory_space<hbm>>) target(%arg6 : memref<4096xi32, #tpu.memory_space<vmem>>) target_semaphore(%run_scoped3A : memref<!tpu.dma_semaphore, #tpu.memory_space<semaphore_mem>>)
      tpu.wait_dma2 semaphore(%run_scoped3A : memref<!tpu.dma_semaphore, #tpu.memory_space<semaphore_mem>>) src(%arg2 : memref<4096xi32, #tpu.memory_space<hbm>>) dst(%arg6 : memref<4096xi32, #tpu.memory_space<vmem>>)
      tpu.yield
    }) : () -> ()
    %iota3A = tpu.iota {dimensions = array<i32: 0>} : vector<16xi32>
    %broadcast_in_dim3A = arith.constant 1 : i32
    %broadcast_in_dim3A_15 = vector.broadcast %broadcast_in_dim3A : i32 to vector<16xi32>
    %broadcast_in_dim3A_16 = arith.constant 0 : i32
    %broadcast_in_dim3A_17 = vector.broadcast %broadcast_in_dim3A_16 : i32 to vector<16xi32>
    %broadcast_in_dim3A_18 = arith.constant 16 : i32
    %broadcast_in_dim3A_19 = vector.broadcast %broadcast_in_dim3A_18 : i32 to vector<16xi32>
    %scan3A_20 = arith.constant 0 : i32
    %scan3A_21 = arith.constant 0 : i32
    %scan3A_22 = arith.constant 256 : i32
    %scan3A_23 = arith.addi %scan3A_21, %scan3A_22 : i32
    %scan3A_24 = arith.constant 4 : i32
    %scan3A_25 = scf.for %scan3A_71 = %scan3A_21 to %scan3A_23 step %scan3A_24 iter_args(%scan3A_72 = %scan3A_20) -> (i32)  : i32 {
      %mul3A_73 = arith.constant 16 : i32
      %mul3A_74 = arith.muli %scan3A_71, %mul3A_73 : i32
      %get3A = arith.index_cast %mul3A_74 : i32 to index
      %get3A_75 = tpu.vector_load %arg6[%get3A] {strides = array<i32>} : memref<4096xi32, #tpu.memory_space<vmem>>, vector<16xi32>,
      %shift_right_logical3A = arith.constant 9 : i32
      %shift_right_logical3A_76 = vector.broadcast %shift_right_logical3A : i32 to vector<16xi32>
      %shift_right_logical3A_77 = arith.shrui %get3A_75, %shift_right_logical3A_76 : vector<16xi32>
      %and3A_78 = arith.constant 511 : i32
      %and3A_79 = vector.broadcast %and3A_78 : i32 to vector<16xi32>
      %and3A_80 = arith.andi %get3A_75, %and3A_79 : vector<16xi32>
      %mul3A_81 = arith.constant 16 : i32
      %mul3A_82 = arith.muli %scan3A_71, %mul3A_81 : i32
      %add3A_83 = vector.broadcast %mul3A_82 : i32 to vector<16xi32>
      %add3A_84 = arith.addi %iota3A, %add3A_83 : vector<16xi32>
      %ge3A = vector.broadcast %add3A_6 : i32 to vector<16xi32>
      %ge3A_85 = arith.cmpi sge, %shift_right_logical3A_77, %ge3A : vector<16xi32>
      %add3A_86 = arith.addi %add3A_6, %select_n3A : i32
      %lt3A_87 = vector.broadcast %add3A_86 : i32 to vector<16xi32>
      %lt3A_88 = arith.cmpi slt, %shift_right_logical3A_77, %lt3A_87 : vector<16xi32>
      %and3A_89 = arith.andi %ge3A_85, %lt3A_88 : vector<16xi1>
      %select_n3A_90 = arith.select %and3A_89, %broadcast_in_dim3A_15, %broadcast_in_dim3A_17 : vector<16xi1>, vector<16xi32>
      %broadcast_in_dim3A_91 = arith.constant true
      %broadcast_in_dim3A_92 = vector.broadcast %broadcast_in_dim3A_91 : i1 to vector<16xi1>
      %masked_cumsum3A = tpu.scan <sum>, %select_n3A_90 masked %broadcast_in_dim3A_92 : vector<16xi32>, vector<16xi1> -> vector<16xi32>
      %broadcast_in_dim3A_93 = vector.broadcast %scan3A_72 : i32 to vector<16xi32>
      %add3A_94 = arith.addi %broadcast_in_dim3A_93, %masked_cumsum3A : vector<16xi32>
      %sub3A_95 = arith.subi %add3A_94, %select_n3A_90 : vector<16xi32>
      tpu.vector_store_idx %arg7[%sub3A_95], %add3A_84 masked %and3A_89 : memref<4096xi32, #tpu.memory_space<vmem>>[vector<16xi32>], vector<16xi32>, vector<16xi1>
      tpu.vector_store_idx %arg8[%sub3A_95], %shift_right_logical3A_77 masked %and3A_89 : memref<4096xi32, #tpu.memory_space<vmem>>[vector<16xi32>], vector<16xi32>, vector<16xi1>
      tpu.vector_store_idx %arg9[%sub3A_95], %and3A_80 masked %and3A_89 : memref<4096xi32, #tpu.memory_space<vmem>>[vector<16xi32>], vector<16xi32>, vector<16xi1>
      %reduce_sum3A = arith.constant true
      %reduce_sum3A_96 = vector.broadcast %reduce_sum3A : i1 to vector<16xi1>
      %reduce_sum3A_97 = tpu.scan <sum>, %select_n3A_90 masked %reduce_sum3A_96 : vector<16xi32>, vector<16xi1> -> vector<16xi32>
      %reduce_sum3A_98 = vector.extract %reduce_sum3A_97[15] : i32 from vector<16xi32>
      %add3A_99 = arith.addi %scan3A_72, %reduce_sum3A_98 : i32
      %scan3A_100 = arith.constant 1 : i32
      %scan3A_101 = arith.addi %scan3A_71, %scan3A_100 : i32
      %mul3A_102 = arith.constant 16 : i32
      %mul3A_103 = arith.muli %scan3A_101, %mul3A_102 : i32
      %get3A_104 = arith.index_cast %mul3A_103 : i32 to index
      %get3A_105 = tpu.vector_load %arg6[%get3A_104] {strides = array<i32>} : memref<4096xi32, #tpu.memory_space<vmem>>, vector<16xi32>,
      %shift_right_logical3A_106 = arith.constant 9 : i32
      %shift_right_logical3A_107 = vector.broadcast %shift_right_logical3A_106 : i32 to vector<16xi32>
      %shift_right_logical3A_108 = arith.shrui %get3A_105, %shift_right_logical3A_107 : vector<16xi32>
      %and3A_109 = arith.constant 511 : i32
      %and3A_110 = vector.broadcast %and3A_109 : i32 to vector<16xi32>
      %and3A_111 = arith.andi %get3A_105, %and3A_110 : vector<16xi32>
      %mul3A_112 = arith.constant 16 : i32
      %mul3A_113 = arith.muli %scan3A_101, %mul3A_112 : i32
      %add3A_114 = vector.broadcast %mul3A_113 : i32 to vector<16xi32>
      %add3A_115 = arith.addi %iota3A, %add3A_114 : vector<16xi32>
      %ge3A_116 = vector.broadcast %add3A_6 : i32 to vector<16xi32>
      %ge3A_117 = arith.cmpi sge, %shift_right_logical3A_108, %ge3A_116 : vector<16xi32>
      %add3A_118 = arith.addi %add3A_6, %select_n3A : i32
      %lt3A_119 = vector.broadcast %add3A_118 : i32 to vector<16xi32>
      %lt3A_120 = arith.cmpi slt, %shift_right_logical3A_108, %lt3A_119 : vector<16xi32>
      %and3A_121 = arith.andi %ge3A_117, %lt3A_120 : vector<16xi1>
      %select_n3A_122 = arith.select %and3A_121, %broadcast_in_dim3A_15, %broadcast_in_dim3A_17 : vector<16xi1>, vector<16xi32>
      %broadcast_in_dim3A_123 = arith.constant true
      %broadcast_in_dim3A_124 = vector.broadcast %broadcast_in_dim3A_123 : i1 to vector<16xi1>
      %masked_cumsum3A_125 = tpu.scan <sum>, %select_n3A_122 masked %broadcast_in_dim3A_124 : vector<16xi32>, vector<16xi1> -> vector<16xi32>
      %broadcast_in_dim3A_126 = vector.broadcast %add3A_99 : i32 to vector<16xi32>
      %add3A_127 = arith.addi %broadcast_in_dim3A_126, %masked_cumsum3A_125 : vector<16xi32>
      %sub3A_128 = arith.subi %add3A_127, %select_n3A_122 : vector<16xi32>
      tpu.vector_store_idx %arg7[%sub3A_128], %add3A_115 masked %and3A_121 : memref<4096xi32, #tpu.memory_space<vmem>>[vector<16xi32>], vector<16xi32>, vector<16xi1>
      tpu.vector_store_idx %arg8[%sub3A_128], %shift_right_logical3A_108 masked %and3A_121 : memref<4096xi32, #tpu.memory_space<vmem>>[vector<16xi32>], vector<16xi32>, vector<16xi1>
      tpu.vector_store_idx %arg9[%sub3A_128], %and3A_111 masked %and3A_121 : memref<4096xi32, #tpu.memory_space<vmem>>[vector<16xi32>], vector<16xi32>, vector<16xi1>
      %reduce_sum3A_129 = arith.constant true
      %reduce_sum3A_130 = vector.broadcast %reduce_sum3A_129 : i1 to vector<16xi1>
      %reduce_sum3A_131 = tpu.scan <sum>, %select_n3A_122 masked %reduce_sum3A_130 : vector<16xi32>, vector<16xi1> -> vector<16xi32>
      %reduce_sum3A_132 = vector.extract %reduce_sum3A_131[15] : i32 from vector<16xi32>
      %add3A_133 = arith.addi %add3A_99, %reduce_sum3A_132 : i32
      %scan3A_134 = arith.constant 2 : i32
      %scan3A_135 = arith.addi %scan3A_71, %scan3A_134 : i32
      %mul3A_136 = arith.constant 16 : i32
      %mul3A_137 = arith.muli %scan3A_135, %mul3A_136 : i32
      %get3A_138 = arith.index_cast %mul3A_137 : i32 to index
      %get3A_139 = tpu.vector_load %arg6[%get3A_138] {strides = array<i32>} : memref<4096xi32, #tpu.memory_space<vmem>>, vector<16xi32>,
      %shift_right_logical3A_140 = arith.constant 9 : i32
      %shift_right_logical3A_141 = vector.broadcast %shift_right_logical3A_140 : i32 to vector<16xi32>
      %shift_right_logical3A_142 = arith.shrui %get3A_139, %shift_right_logical3A_141 : vector<16xi32>
      %and3A_143 = arith.constant 511 : i32
      %and3A_144 = vector.broadcast %and3A_143 : i32 to vector<16xi32>
      %and3A_145 = arith.andi %get3A_139, %and3A_144 : vector<16xi32>
      %mul3A_146 = arith.constant 16 : i32
      %mul3A_147 = arith.muli %scan3A_135, %mul3A_146 : i32
      %add3A_148 = vector.broadcast %mul3A_147 : i32 to vector<16xi32>
      %add3A_149 = arith.addi %iota3A, %add3A_148 : vector<16xi32>
      %ge3A_150 = vector.broadcast %add3A_6 : i32 to vector<16xi32>
      %ge3A_151 = arith.cmpi sge, %shift_right_logical3A_142, %ge3A_150 : vector<16xi32>
      %add3A_152 = arith.addi %add3A_6, %select_n3A : i32
      %lt3A_153 = vector.broadcast %add3A_152 : i32 to vector<16xi32>
      %lt3A_154 = arith.cmpi slt, %shift_right_logical3A_142, %lt3A_153 : vector<16xi32>
      %and3A_155 = arith.andi %ge3A_151, %lt3A_154 : vector<16xi1>
      %select_n3A_156 = arith.select %and3A_155, %broadcast_in_dim3A_15, %broadcast_in_dim3A_17 : vector<16xi1>, vector<16xi32>
      %broadcast_in_dim3A_157 = arith.constant true
      %broadcast_in_dim3A_158 = vector.broadcast %broadcast_in_dim3A_157 : i1 to vector<16xi1>
      %masked_cumsum3A_159 = tpu.scan <sum>, %select_n3A_156 masked %broadcast_in_dim3A_158 : vector<16xi32>, vector<16xi1> -> vector<16xi32>
      %broadcast_in_dim3A_160 = vector.broadcast %add3A_133 : i32 to vector<16xi32>
      %add3A_161 = arith.addi %broadcast_in_dim3A_160, %masked_cumsum3A_159 : vector<16xi32>
      %sub3A_162 = arith.subi %add3A_161, %select_n3A_156 : vector<16xi32>
      tpu.vector_store_idx %arg7[%sub3A_162], %add3A_149 masked %and3A_155 : memref<4096xi32, #tpu.memory_space<vmem>>[vector<16xi32>], vector<16xi32>, vector<16xi1>
      tpu.vector_store_idx %arg8[%sub3A_162], %shift_right_logical3A_142 masked %and3A_155 : memref<4096xi32, #tpu.memory_space<vmem>>[vector<16xi32>], vector<16xi32>, vector<16xi1>
      tpu.vector_store_idx %arg9[%sub3A_162], %and3A_145 masked %and3A_155 : memref<4096xi32, #tpu.memory_space<vmem>>[vector<16xi32>], vector<16xi32>, vector<16xi1>
      %reduce_sum3A_163 = arith.constant true
      %reduce_sum3A_164 = vector.broadcast %reduce_sum3A_163 : i1 to vector<16xi1>
      %reduce_sum3A_165 = tpu.scan <sum>, %select_n3A_156 masked %reduce_sum3A_164 : vector<16xi32>, vector<16xi1> -> vector<16xi32>
      %reduce_sum3A_166 = vector.extract %reduce_sum3A_165[15] : i32 from vector<16xi32>
      %add3A_167 = arith.addi %add3A_133, %reduce_sum3A_166 : i32
      %scan3A_168 = arith.constant 3 : i32
      %scan3A_169 = arith.addi %scan3A_71, %scan3A_168 : i32
      %mul3A_170 = arith.constant 16 : i32
      %mul3A_171 = arith.muli %scan3A_169, %mul3A_170 : i32
      %get3A_172 = arith.index_cast %mul3A_171 : i32 to index
      %get3A_173 = tpu.vector_load %arg6[%get3A_172] {strides = array<i32>} : memref<4096xi32, #tpu.memory_space<vmem>>, vector<16xi32>,
      %shift_right_logical3A_174 = arith.constant 9 : i32
      %shift_right_logical3A_175 = vector.broadcast %shift_right_logical3A_174 : i32 to vector<16xi32>
      %shift_right_logical3A_176 = arith.shrui %get3A_173, %shift_right_logical3A_175 : vector<16xi32>
      %and3A_177 = arith.constant 511 : i32
      %and3A_178 = vector.broadcast %and3A_177 : i32 to vector<16xi32>
      %and3A_179 = arith.andi %get3A_173, %and3A_178 : vector<16xi32>
      %mul3A_180 = arith.constant 16 : i32
      %mul3A_181 = arith.muli %scan3A_169, %mul3A_180 : i32
      %add3A_182 = vector.broadcast %mul3A_181 : i32 to vector<16xi32>
      %add3A_183 = arith.addi %iota3A, %add3A_182 : vector<16xi32>
      %ge3A_184 = vector.broadcast %add3A_6 : i32 to vector<16xi32>
      %ge3A_185 = arith.cmpi sge, %shift_right_logical3A_176, %ge3A_184 : vector<16xi32>
      %add3A_186 = arith.addi %add3A_6, %select_n3A : i32
      %lt3A_187 = vector.broadcast %add3A_186 : i32 to vector<16xi32>
      %lt3A_188 = arith.cmpi slt, %shift_right_logical3A_176, %lt3A_187 : vector<16xi32>
      %and3A_189 = arith.andi %ge3A_185, %lt3A_188 : vector<16xi1>
      %select_n3A_190 = arith.select %and3A_189, %broadcast_in_dim3A_15, %broadcast_in_dim3A_17 : vector<16xi1>, vector<16xi32>
      %broadcast_in_dim3A_191 = arith.constant true
      %broadcast_in_dim3A_192 = vector.broadcast %broadcast_in_dim3A_191 : i1 to vector<16xi1>
      %masked_cumsum3A_193 = tpu.scan <sum>, %select_n3A_190 masked %broadcast_in_dim3A_192 : vector<16xi32>, vector<16xi1> -> vector<16xi32>
      %broadcast_in_dim3A_194 = vector.broadcast %add3A_167 : i32 to vector<16xi32>
      %add3A_195 = arith.addi %broadcast_in_dim3A_194, %masked_cumsum3A_193 : vector<16xi32>
      %sub3A_196 = arith.subi %add3A_195, %select_n3A_190 : vector<16xi32>
      tpu.vector_store_idx %arg7[%sub3A_196], %add3A_183 masked %and3A_189 : memref<4096xi32, #tpu.memory_space<vmem>>[vector<16xi32>], vector<16xi32>, vector<16xi1>
      tpu.vector_store_idx %arg8[%sub3A_196], %shift_right_logical3A_176 masked %and3A_189 : memref<4096xi32, #tpu.memory_space<vmem>>[vector<16xi32>], vector<16xi32>, vector<16xi1>
      tpu.vector_store_idx %arg9[%sub3A_196], %and3A_179 masked %and3A_189 : memref<4096xi32, #tpu.memory_space<vmem>>[vector<16xi32>], vector<16xi32>, vector<16xi1>
      %reduce_sum3A_197 = arith.constant true
      %reduce_sum3A_198 = vector.broadcast %reduce_sum3A_197 : i1 to vector<16xi1>
      %reduce_sum3A_199 = tpu.scan <sum>, %select_n3A_190 masked %reduce_sum3A_198 : vector<16xi32>, vector<16xi1> -> vector<16xi32>
      %reduce_sum3A_200 = vector.extract %reduce_sum3A_199[15] : i32 from vector<16xi32>
      %add3A_201 = arith.addi %add3A_167, %reduce_sum3A_200 : i32
      scf.yield %add3A_201 : i32
    }
    %scan3A_26 = arith.constant 256 : i32
    %add3A_27 = arith.constant 16 : i32
    %add3A_28 = arith.addi %scan3A_25, %add3A_27 : i32
    %sub3A = arith.constant 1 : i32
    %sub3A_29 = arith.subi %add3A_28, %sub3A : i32
    %jit3A_30 = arith.constant 16 : i32
    %div3A = arith.divsi %sub3A_29, %jit3A_30 : i32
    %sign3A = arith.constant 0 : i32
    %sign3A_31 = arith.cmpi sgt, %sub3A_29, %sign3A : i32
    %sign3A_32 = arith.extui %sign3A_31 : i1 to i32
    %sign3A_33 = arith.constant 0 : i32
    %sign3A_34 = arith.cmpi slt, %sub3A_29, %sign3A_33 : i32
    %sign3A_35 = arith.extui %sign3A_34 : i1 to i32
    %sign3A_36 = arith.subi %sign3A_32, %sign3A_35 : i32
    %sign3A_37 = arith.constant 0 : i32
    %sign3A_38 = arith.cmpi sgt, %jit3A_30, %sign3A_37 : i32
    %sign3A_39 = arith.extui %sign3A_38 : i1 to i32
    %sign3A_40 = arith.constant 0 : i32
    %sign3A_41 = arith.cmpi slt, %jit3A_30, %sign3A_40 : i32
    %sign3A_42 = arith.extui %sign3A_41 : i1 to i32
    %sign3A_43 = arith.subi %sign3A_39, %sign3A_42 : i32
    %ne3A = arith.cmpi ne, %sign3A_36, %sign3A_43 : i32
    %rem3A = arith.remsi %sub3A_29, %jit3A_30 : i32
    %ne3A_44 = arith.constant 0 : i32
    %ne3A_45 = arith.cmpi ne, %rem3A, %ne3A_44 : i32
    %and3A = arith.andi %ne3A, %ne3A_45 : i1
    %sub3A_46 = arith.constant 1 : i32
    %sub3A_47 = arith.subi %div3A, %sub3A_46 : i32
    %select_n3A_48 = arith.select %and3A, %sub3A_47, %div3A : i32
    %while3A = arith.constant 0 : i32
    %while3A_49 = arith.constant 0 : i32
    %while3A_50 = arith.constant 0 : i32
    %while3A_51 = arith.subi %select_n3A, %while3A : i32
    %while3A_52 = arith.addi %while3A, %while3A_51 : i32
    %while3A_53 = arith.constant 1 : i32
    %while3A_54 = arith.divsi %while3A_51, %while3A_53 : i32
    %while3A_55 = arith.muli %while3A_54, %while3A_53 : i32
    %while3A_56 = arith.addi %while3A, %while3A_55 : i32
    %while3A_57 = arith.constant 1 : i32
    %while3A_58:2 = scf.for %while3A_71 = %while3A to %while3A_56 step %while3A_57 iter_args(%while3A_72 = %while3A_49, %while3A_73 = %while3A_50) -> (i32, i32)  : i32 {
      %rem3A_74 = arith.constant 3 : i32
      %rem3A_75 = arith.remsi %while3A_71, %rem3A_74 : i32
      %add3A_76 = arith.constant 3 : i32
      %add3A_77 = arith.addi %while3A_71, %add3A_76 : i32
      %sub3A_78 = arith.constant 1 : i32
      %sub3A_79 = arith.subi %add3A_77, %sub3A_78 : i32
      %lt3A_80 = arith.cmpi slt, %sub3A_79, %select_n3A : i32
      %convert_element_type3A_81 = arith.extui %lt3A_80 : i1 to i32
      %cond3A_82 = arith.constant 0 : i32
      %cond3A_83 = arith.cmpi ne, %convert_element_type3A_81, %cond3A_82 : i32
      scf.if %cond3A_83 {
        %add3A_120 = arith.constant 3 : i32
        %add3A_121 = arith.addi %while3A_71, %add3A_120 : i32
        %sub3A_122 = arith.constant 1 : i32
        %sub3A_123 = arith.subi %add3A_121, %sub3A_122 : i32
        %rem3A_124 = arith.constant 3 : i32
        %rem3A_125 = arith.remsi %sub3A_123, %rem3A_124 : i32
        %add3A_126 = arith.addi %add3A_6, %sub3A_123 : i32
        %mul3A_127 = arith.constant 512 : i32
        %mul3A_128 = arith.muli %add3A_126, %mul3A_127 : i32
        %multiple_of3A = tpu.assume_multiple %mul3A_128, 128 : i32
        %eq3A_129 = arith.constant 195 : i32
        %eq3A_130 = arith.cmpi eq, %add3A_126, %eq3A_129 : i32
        %convert_element_type3A_131 = arith.extui %eq3A_130 : i1 to i32
        %cond3A_132 = arith.constant 0 : i32
        %cond3A_133 = arith.cmpi ne, %convert_element_type3A_131, %cond3A_132 : i32
        scf.if %cond3A_133 {
          %dma_start3A = arith.constant 0 : i32
          %dma_start3A_139 = arith.constant 0 : i32
          %dma_start3A_140 = tpu.memref_slice %arg11[%rem3A_125, %dma_start3A, %dma_start3A_139] : memref<3x64x512xf32, #tpu.memory_space<vmem>> -> memref<1x64x128xf32, #tpu.memory_space<vmem>>
          %dma_start3A_141 = tpu.memref_squeeze %dma_start3A_140 : memref<1x64x128xf32, #tpu.memory_space<vmem>> -> memref<64x128xf32, #tpu.memory_space<vmem>>
          %dma_start3A_142 = arith.constant 0 : i32
          %dma_start3A_143 = tpu.memref_slice %arg3[%dma_start3A_142, %multiple_of3A] : memref<64x100000xf32, #tpu.memory_space<hbm>> -> memref<64x128xf32, #tpu.memory_space<hbm>>
          %dma_start3A_144 = arith.constant 0 : i32
          %dma_start3A_145 = arith.constant 0 : i32
          %dma_start3A_146 = tpu.memref_slice %arg11[%rem3A_125, %dma_start3A_144, %dma_start3A_145] : memref<3x64x512xf32, #tpu.memory_space<vmem>> -> memref<1x64x128xf32, #tpu.memory_space<vmem>>
          %dma_start3A_147 = tpu.memref_squeeze %dma_start3A_146 : memref<1x64x128xf32, #tpu.memory_space<vmem>> -> memref<64x128xf32, #tpu.memory_space<vmem>>
          %dma_start3A_148 = arith.constant 0 : i32
          %dma_start3A_149 = tpu.memref_slice %arg3[%dma_start3A_148, %multiple_of3A] : memref<64x100000xf32, #tpu.memory_space<hbm>> -> memref<64x128xf32, #tpu.memory_space<hbm>>
          tpu.enqueue_dma source(%dma_start3A_149 : memref<64x128xf32, #tpu.memory_space<hbm>>) target(%dma_start3A_147 : memref<64x128xf32, #tpu.memory_space<vmem>>) target_semaphore(%arg13 : memref<!tpu.dma_semaphore, #tpu.memory_space<semaphore_mem>>)
          %dma_start3A_150 = arith.constant 0 : i32
          %dma_start3A_151 = arith.constant 128 : i32
          %dma_start3A_152 = tpu.memref_slice %arg11[%rem3A_125, %dma_start3A_150, %dma_start3A_151] : memref<3x64x512xf32, #tpu.memory_space<vmem>> -> memref<1x64x128xf32, #tpu.memory_space<vmem>>
          %dma_start3A_153 = tpu.memref_squeeze %dma_start3A_152 : memref<1x64x128xf32, #tpu.memory_space<vmem>> -> memref<64x128xf32, #tpu.memory_space<vmem>>
          %dma_start3A_154 = arith.constant 0 : i32
          %dma_start3A_155 = arith.constant 128 : i32
          %dma_start3A_156 = tpu.memref_slice %arg11[%rem3A_125, %dma_start3A_154, %dma_start3A_155] : memref<3x64x512xf32, #tpu.memory_space<vmem>> -> memref<1x64x128xf32, #tpu.memory_space<vmem>>
          %dma_start3A_157 = tpu.memref_squeeze %dma_start3A_156 : memref<1x64x128xf32, #tpu.memory_space<vmem>> -> memref<64x128xf32, #tpu.memory_space<vmem>>
          tpu.enqueue_dma source(%arg4 : memref<64x128xf32, #tpu.memory_space<hbm>>) target(%dma_start3A_157 : memref<64x128xf32, #tpu.memory_space<vmem>>) target_semaphore(%arg13 : memref<!tpu.dma_semaphore, #tpu.memory_space<semaphore_mem>>)
        } else {
        }
        %ne3A_134 = arith.constant 195 : i32
        %ne3A_135 = arith.cmpi ne, %add3A_126, %ne3A_134 : i32
        %convert_element_type3A_136 = arith.extui %ne3A_135 : i1 to i32
        %cond3A_137 = arith.constant 0 : i32
        %cond3A_138 = arith.cmpi ne, %convert_element_type3A_136, %cond3A_137 : i32
        scf.if %cond3A_138 {
          %dma_start3A = arith.constant 0 : i32
          %dma_start3A_139 = arith.constant 0 : i32
          %dma_start3A_140 = tpu.memref_slice %arg11[%rem3A_125, %dma_start3A, %dma_start3A_139] : memref<3x64x512xf32, #tpu.memory_space<vmem>> -> memref<1x64x512xf32, #tpu.memory_space<vmem>>
          %dma_start3A_141 = tpu.memref_squeeze %dma_start3A_140 : memref<1x64x512xf32, #tpu.memory_space<vmem>> -> memref<64x512xf32, #tpu.memory_space<vmem>>
          %dma_start3A_142 = arith.constant 0 : i32
          %dma_start3A_143 = tpu.memref_slice %arg3[%dma_start3A_142, %multiple_of3A] : memref<64x100000xf32, #tpu.memory_space<hbm>> -> memref<64x512xf32, #tpu.memory_space<hbm>>
          %dma_start3A_144 = arith.constant 0 : i32
          %dma_start3A_145 = arith.constant 0 : i32
          %dma_start3A_146 = tpu.memref_slice %arg11[%rem3A_125, %dma_start3A_144, %dma_start3A_145] : memref<3x64x512xf32, #tpu.memory_space<vmem>> -> memref<1x64x512xf32, #tpu.memory_space<vmem>>
          %dma_start3A_147 = tpu.memref_squeeze %dma_start3A_146 : memref<1x64x512xf32, #tpu.memory_space<vmem>> -> memref<64x512xf32, #tpu.memory_space<vmem>>
          %dma_start3A_148 = arith.constant 0 : i32
          %dma_start3A_149 = tpu.memref_slice %arg3[%dma_start3A_148, %multiple_of3A] : memref<64x100000xf32, #tpu.memory_space<hbm>> -> memref<64x512xf32, #tpu.memory_space<hbm>>
          tpu.enqueue_dma source(%dma_start3A_149 : memref<64x512xf32, #tpu.memory_space<hbm>>) target(%dma_start3A_147 : memref<64x512xf32, #tpu.memory_space<vmem>>) target_semaphore(%arg13 : memref<!tpu.dma_semaphore, #tpu.memory_space<semaphore_mem>>)
        } else {
        }
      } else {
      }
      %add3A_84 = arith.addi %add3A_6, %while3A_71 : i32
      %eq3A = arith.constant 195 : i32
      %eq3A_85 = arith.cmpi eq, %add3A_84, %eq3A : i32
      %convert_element_type3A_86 = arith.extui %eq3A_85 : i1 to i32
      %cond3A_87 = arith.constant 0 : i32
      %cond3A_88 = arith.cmpi ne, %convert_element_type3A_86, %cond3A_87 : i32
      scf.if %cond3A_88 {
        %dma_wait3A = arith.constant 0 : i32
        %dma_wait3A_120 = arith.constant 0 : i32
        %dma_wait3A_121 = tpu.memref_slice %arg11[%rem3A_75, %dma_wait3A, %dma_wait3A_120] : memref<3x64x512xf32, #tpu.memory_space<vmem>> -> memref<1x64x256xf32, #tpu.memory_space<vmem>>
        %dma_wait3A_122 = tpu.memref_squeeze %dma_wait3A_121 : memref<1x64x256xf32, #tpu.memory_space<vmem>> -> memref<64x256xf32, #tpu.memory_space<vmem>>
        %dma_wait3A_123 = arith.constant 0 : i32
        %dma_wait3A_124 = arith.constant 0 : i32
        %dma_wait3A_125 = tpu.memref_slice %arg3[%dma_wait3A_123, %dma_wait3A_124] : memref<64x100000xf32, #tpu.memory_space<hbm>> -> memref<64x256xf32, #tpu.memory_space<hbm>>
        %dma_wait3A_126 = arith.constant 0 : i32
        %dma_wait3A_127 = arith.constant 0 : i32
        %dma_wait3A_128 = tpu.memref_slice %arg11[%rem3A_75, %dma_wait3A_126, %dma_wait3A_127] : memref<3x64x512xf32, #tpu.memory_space<vmem>> -> memref<1x64x256xf32, #tpu.memory_space<vmem>>
        %dma_wait3A_129 = tpu.memref_squeeze %dma_wait3A_128 : memref<1x64x256xf32, #tpu.memory_space<vmem>> -> memref<64x256xf32, #tpu.memory_space<vmem>>
        %dma_wait3A_130 = arith.constant 0 : i32
        %dma_wait3A_131 = arith.constant 0 : i32
        %dma_wait3A_132 = tpu.memref_slice %arg3[%dma_wait3A_130, %dma_wait3A_131] : memref<64x100000xf32, #tpu.memory_space<hbm>> -> memref<64x256xf32, #tpu.memory_space<hbm>>
        tpu.wait_dma2 semaphore(%arg13 : memref<!tpu.dma_semaphore, #tpu.memory_space<semaphore_mem>>) src(%dma_wait3A_132 : memref<64x256xf32, #tpu.memory_space<hbm>>) dst(%dma_wait3A_129 : memref<64x256xf32, #tpu.memory_space<vmem>>)
      } else {
      }
      %add3A_89 = arith.addi %add3A_6, %while3A_71 : i32
      %ne3A_90 = arith.constant 195 : i32
      %ne3A_91 = arith.cmpi ne, %add3A_89, %ne3A_90 : i32
      %convert_element_type3A_92 = arith.extui %ne3A_91 : i1 to i32
      %cond3A_93 = arith.constant 0 : i32
      %cond3A_94 = arith.cmpi ne, %convert_element_type3A_92, %cond3A_93 : i32
      scf.if %cond3A_94 {
        %dma_wait3A = arith.constant 0 : i32
        %dma_wait3A_120 = arith.constant 0 : i32
        %dma_wait3A_121 = tpu.memref_slice %arg11[%rem3A_75, %dma_wait3A, %dma_wait3A_120] : memref<3x64x512xf32, #tpu.memory_space<vmem>> -> memref<1x64x512xf32, #tpu.memory_space<vmem>>
        %dma_wait3A_122 = tpu.memref_squeeze %dma_wait3A_121 : memref<1x64x512xf32, #tpu.memory_space<vmem>> -> memref<64x512xf32, #tpu.memory_space<vmem>>
        %dma_wait3A_123 = arith.constant 0 : i32
        %dma_wait3A_124 = arith.constant 0 : i32
        %dma_wait3A_125 = tpu.memref_slice %arg3[%dma_wait3A_123, %dma_wait3A_124] : memref<64x100000xf32, #tpu.memory_space<hbm>> -> memref<64x512xf32, #tpu.memory_space<hbm>>
        %dma_wait3A_126 = arith.constant 0 : i32
        %dma_wait3A_127 = arith.constant 0 : i32
        %dma_wait3A_128 = tpu.memref_slice %arg11[%rem3A_75, %dma_wait3A_126, %dma_wait3A_127] : memref<3x64x512xf32, #tpu.memory_space<vmem>> -> memref<1x64x512xf32, #tpu.memory_space<vmem>>
        %dma_wait3A_129 = tpu.memref_squeeze %dma_wait3A_128 : memref<1x64x512xf32, #tpu.memory_space<vmem>> -> memref<64x512xf32, #tpu.memory_space<vmem>>
        %dma_wait3A_130 = arith.constant 0 : i32
        %dma_wait3A_131 = arith.constant 0 : i32
        %dma_wait3A_132 = tpu.memref_slice %arg3[%dma_wait3A_130, %dma_wait3A_131] : memref<64x100000xf32, #tpu.memory_space<hbm>> -> memref<64x512xf32, #tpu.memory_space<hbm>>
        tpu.wait_dma2 semaphore(%arg13 : memref<!tpu.dma_semaphore, #tpu.memory_space<semaphore_mem>>) src(%dma_wait3A_132 : memref<64x512xf32, #tpu.memory_space<hbm>>) dst(%dma_wait3A_129 : memref<64x512xf32, #tpu.memory_space<vmem>>)
      } else {
      }
      %add3A_95 = arith.addi %add3A_6, %while3A_71 : i32
      %broadcast_in_dim3A_96 = vector.broadcast %rem3A_75 : i32 to vector<16xi32>
      %while3A_97 = arith.constant 0 : i32
      %while3A_98 = arith.constant 0 : i32
      %while3A_99 = arith.subi %select_n3A_48, %while3A_97 : i32
      %while3A_100 = arith.addi %while3A_97, %while3A_99 : i32
      %while3A_101 = arith.constant 1 : i32
      %while3A_102 = arith.divsi %while3A_99, %while3A_101 : i32
      %while3A_103 = arith.muli %while3A_102, %while3A_101 : i32
      %while3A_104 = arith.addi %while3A_97, %while3A_103 : i32
      %while3A_105 = arith.constant 1 : i32
      %while3A_106 = scf.for %while3A_120 = %while3A_97 to %while3A_104 step %while3A_105 iter_args(%while3A_121 = %while3A_98) -> (i32)  : i32 {
        %mul3A_122 = arith.constant 16 : i32
        %mul3A_123 = arith.muli %while3A_120, %mul3A_122 : i32
        %get3A = arith.index_cast %mul3A_123 : i32 to index
        %get3A_124 = tpu.vector_load %arg8[%get3A] {strides = array<i32>} : memref<4096xi32, #tpu.memory_space<vmem>>, vector<16xi32>,
        %mul3A_125 = arith.constant 16 : i32
        %mul3A_126 = arith.muli %while3A_120, %mul3A_125 : i32
        %get3A_127 = arith.index_cast %mul3A_126 : i32 to index
        %get3A_128 = tpu.vector_load %arg7[%get3A_127] {strides = array<i32>} : memref<4096xi32, #tpu.memory_space<vmem>>, vector<16xi32>,
        %mul3A_129 = arith.constant 16 : i32
        %mul3A_130 = arith.muli %while3A_120, %mul3A_129 : i32
        %get3A_131 = arith.index_cast %mul3A_130 : i32 to index
        %get3A_132 = tpu.vector_load %arg9[%get3A_131] {strides = array<i32>} : memref<4096xi32, #tpu.memory_space<vmem>>, vector<16xi32>,
        %mul3A_133 = arith.constant 16 : i32
        %mul3A_134 = arith.muli %while3A_120, %mul3A_133 : i32
        %add3A_135 = vector.broadcast %mul3A_134 : i32 to vector<16xi32>
        %add3A_136 = arith.addi %iota3A, %add3A_135 : vector<16xi32>
        %lt3A_137 = vector.broadcast %scan3A_25 : i32 to vector<16xi32>
        %lt3A_138 = arith.cmpi slt, %add3A_136, %lt3A_137 : vector<16xi32>
        %eq3A_139 = vector.broadcast %add3A_95 : i32 to vector<16xi32>
        %eq3A_140 = arith.cmpi eq, %get3A_124, %eq3A_139 : vector<16xi32>
        %and3A_141 = arith.andi %eq3A_140, %lt3A_138 : vector<16xi1>
        %select_n3A_142 = arith.select %and3A_141, %broadcast_in_dim3A_15, %broadcast_in_dim3A_17 : vector<16xi1>, vector<16xi32>
        %broadcast_in_dim3A_143 = arith.constant true
        %broadcast_in_dim3A_144 = vector.broadcast %broadcast_in_dim3A_143 : i1 to vector<16xi1>
        %masked_cumsum3A = tpu.scan <sum>, %select_n3A_142 masked %broadcast_in_dim3A_144 : vector<16xi32>, vector<16xi1> -> vector<16xi32>
        %broadcast_in_dim3A_145 = vector.broadcast %while3A_121 : i32 to vector<16xi32>
        %add3A_146 = arith.addi %broadcast_in_dim3A_145, %masked_cumsum3A : vector<16xi32>
        %sub3A_147 = arith.subi %add3A_146, %select_n3A_142 : vector<16xi32>
        %shift_left3A = arith.constant 9 : i32
        %shift_left3A_148 = vector.broadcast %shift_left3A : i32 to vector<16xi32>
        %shift_left3A_149 = arith.shli %get3A_128, %shift_left3A_148 : vector<16xi32>
        %or3A = arith.ori %shift_left3A_149, %get3A_132 : vector<16xi32>
        tpu.vector_store_idx %arg10[%sub3A_147], %or3A masked %and3A_141 : memref<4096xi32, #tpu.memory_space<vmem>>[vector<16xi32>], vector<16xi32>, vector<16xi1>
        %reduce_sum3A = arith.constant true
        %reduce_sum3A_150 = vector.broadcast %reduce_sum3A : i1 to vector<16xi1>
        %reduce_sum3A_151 = tpu.scan <sum>, %select_n3A_142 masked %reduce_sum3A_150 : vector<16xi32>, vector<16xi1> -> vector<16xi32>
        %reduce_sum3A_152 = vector.extract %reduce_sum3A_151[15] : i32 from vector<16xi32>
        %add3A_153 = arith.addi %while3A_121, %reduce_sum3A_152 : i32
        scf.yield %add3A_153 : i32
      }
      %while3A_107 = arith.constant 1 : i32
      %while3A_108 = scf.for %while3A_120 = %while3A_104 to %while3A_100 step %while3A_107 iter_args(%while3A_121 = %while3A_106) -> (i32)  : i32 {
        %mul3A_122 = arith.constant 16 : i32
        %mul3A_123 = arith.muli %while3A_120, %mul3A_122 : i32
        %get3A = arith.index_cast %mul3A_123 : i32 to index
        %get3A_124 = tpu.vector_load %arg8[%get3A] {strides = array<i32>} : memref<4096xi32, #tpu.memory_space<vmem>>, vector<16xi32>,
        %mul3A_125 = arith.constant 16 : i32
        %mul3A_126 = arith.muli %while3A_120, %mul3A_125 : i32
        %get3A_127 = arith.index_cast %mul3A_126 : i32 to index
        %get3A_128 = tpu.vector_load %arg7[%get3A_127] {strides = array<i32>} : memref<4096xi32, #tpu.memory_space<vmem>>, vector<16xi32>,
        %mul3A_129 = arith.constant 16 : i32
        %mul3A_130 = arith.muli %while3A_120, %mul3A_129 : i32
        %get3A_131 = arith.index_cast %mul3A_130 : i32 to index
        %get3A_132 = tpu.vector_load %arg9[%get3A_131] {strides = array<i32>} : memref<4096xi32, #tpu.memory_space<vmem>>, vector<16xi32>,
        %mul3A_133 = arith.constant 16 : i32
        %mul3A_134 = arith.muli %while3A_120, %mul3A_133 : i32
        %add3A_135 = vector.broadcast %mul3A_134 : i32 to vector<16xi32>
        %add3A_136 = arith.addi %iota3A, %add3A_135 : vector<16xi32>
        %lt3A_137 = vector.broadcast %scan3A_25 : i32 to vector<16xi32>
        %lt3A_138 = arith.cmpi slt, %add3A_136, %lt3A_137 : vector<16xi32>
        %eq3A_139 = vector.broadcast %add3A_95 : i32 to vector<16xi32>
        %eq3A_140 = arith.cmpi eq, %get3A_124, %eq3A_139 : vector<16xi32>
        %and3A_141 = arith.andi %eq3A_140, %lt3A_138 : vector<16xi1>
        %select_n3A_142 = arith.select %and3A_141, %broadcast_in_dim3A_15, %broadcast_in_dim3A_17 : vector<16xi1>, vector<16xi32>
        %broadcast_in_dim3A_143 = arith.constant true
        %broadcast_in_dim3A_144 = vector.broadcast %broadcast_in_dim3A_143 : i1 to vector<16xi1>
        %masked_cumsum3A = tpu.scan <sum>, %select_n3A_142 masked %broadcast_in_dim3A_144 : vector<16xi32>, vector<16xi1> -> vector<16xi32>
        %broadcast_in_dim3A_145 = vector.broadcast %while3A_121 : i32 to vector<16xi32>
        %add3A_146 = arith.addi %broadcast_in_dim3A_145, %masked_cumsum3A : vector<16xi32>
        %sub3A_147 = arith.subi %add3A_146, %select_n3A_142 : vector<16xi32>
        %shift_left3A = arith.constant 9 : i32
        %shift_left3A_148 = vector.broadcast %shift_left3A : i32 to vector<16xi32>
        %shift_left3A_149 = arith.shli %get3A_128, %shift_left3A_148 : vector<16xi32>
        %or3A = arith.ori %shift_left3A_149, %get3A_132 : vector<16xi32>
        tpu.vector_store_idx %arg10[%sub3A_147], %or3A masked %and3A_141 : memref<4096xi32, #tpu.memory_space<vmem>>[vector<16xi32>], vector<16xi32>, vector<16xi1>
        %reduce_sum3A = arith.constant true
        %reduce_sum3A_150 = vector.broadcast %reduce_sum3A : i1 to vector<16xi1>
        %reduce_sum3A_151 = tpu.scan <sum>, %select_n3A_142 masked %reduce_sum3A_150 : vector<16xi32>, vector<16xi1> -> vector<16xi32>
        %reduce_sum3A_152 = vector.extract %reduce_sum3A_151[15] : i32 from vector<16xi32>
        %add3A_153 = arith.addi %while3A_121, %reduce_sum3A_152 : i32
        scf.yield %add3A_153 : i32
      }
      %while3A_109 = arith.constant 0 : i32
      %while3A_110 = arith.subi %while3A_108, %while3A_109 : i32
      %while3A_111 = arith.addi %while3A_109, %while3A_110 : i32
      %while3A_112 = arith.constant 1 : i32
      %while3A_113 = arith.divsi %while3A_110, %while3A_112 : i32
      %while3A_114 = arith.muli %while3A_113, %while3A_112 : i32
      %while3A_115 = arith.addi %while3A_109, %while3A_114 : i32
      %while3A_116 = arith.constant 1 : i32
      %while3A_117:2 = scf.for %while3A_120 = %while3A_109 to %while3A_115 step %while3A_116 iter_args(%while3A_121 = %while3A_72, %while3A_122 = %while3A_73) -> (i32, i32)  : i32 {
        %broadcast_in_dim3A_123 = vector.broadcast %while3A_120 : i32 to vector<16xi32>
        %gather3A = tpu.vector_load_idx %arg10[%broadcast_in_dim3A_123] : memref<4096xi32, #tpu.memory_space<vmem>>[vector<16xi32>], vector<16xi32>,
        %and3A_124 = arith.constant 511 : i32
        %and3A_125 = vector.broadcast %and3A_124 : i32 to vector<16xi32>
        %and3A_126 = arith.andi %gather3A, %and3A_125 : vector<16xi32>
        %slice3A = vector.extract_strided_slice %gather3A {offsets = [0], sizes = [1], strides = [1]} : vector<16xi32> to vector<1xi32>
        %squeeze3A = vector.extract %slice3A[0] : i32 from vector<1xi32>
        %shift_right_arithmetic3A = arith.constant 9 : i32
        %shift_right_arithmetic3A_127 = arith.shrsi %squeeze3A, %shift_right_arithmetic3A : i32
        %rem3A_128 = arith.constant 16 : i32
        %rem3A_129 = arith.remsi %while3A_121, %rem3A_128 : i32
        %eq3A_130 = arith.constant 0 : i32
        %eq3A_131 = arith.cmpi eq, %rem3A_129, %eq3A_130 : i32
        %ge3A = arith.constant 16 : i32
        %ge3A_132 = arith.cmpi sge, %while3A_121, %ge3A : i32
        %and3A_133 = arith.andi %eq3A_131, %ge3A_132 : i1
        %convert_element_type3A_134 = arith.extui %and3A_133 : i1 to i32
        %cond3A_135 = arith.constant 0 : i32
        %cond3A_136 = arith.cmpi ne, %convert_element_type3A_134, %cond3A_135 : i32
        scf.if %cond3A_136 {
          %dma_wait3A = arith.constant 0 : i32
          %dma_wait3A_186 = tpu.memref_slice %arg5[%dma_wait3A] : memref<262144xf32, #tpu.memory_space<hbm>> -> memref<1024xf32, #tpu.memory_space<hbm>>
          %dma_wait3A_187 = arith.constant 0 : i32
          %dma_wait3A_188 = tpu.memref_slice %arg5[%dma_wait3A_187] : memref<262144xf32, #tpu.memory_space<hbm>> -> memref<1024xf32, #tpu.memory_space<hbm>>
          tpu.wait_dma2 semaphore(%arg14 : memref<!tpu.dma_semaphore, #tpu.memory_space<semaphore_mem>>) src(%dma_wait3A_188 : memref<1024xf32, #tpu.memory_space<hbm>>) dst(%arg12 : memref<1024xf32, #tpu.memory_space<vmem>>)
        } else {
        }
        %mul3A_137 = arith.constant 64 : i32
        %mul3A_138 = arith.muli %rem3A_129, %mul3A_137 : i32
        %multiple_of3A = tpu.assume_multiple %mul3A_138, 8 : i32
        %add3A_139 = arith.constant 0 : i32
        %add3A_140 = vector.broadcast %add3A_139 : i32 to vector<16xi32>
        %add3A_141 = arith.addi %iota3A, %add3A_140 : vector<16xi32>
        %gather3A_142 = tpu.vector_load_idx %arg11[%broadcast_in_dim3A_96, %add3A_141, %and3A_126] : memref<3x64x512xf32, #tpu.memory_space<vmem>>[vector<16xi32>, vector<16xi32>, vector<16xi32>], vector<16xf32>,
        %add3A_143 = arith.constant 0 : i32
        %add3A_144 = arith.addi %multiple_of3A, %add3A_143 : i32
        %swap3A = arith.index_cast %add3A_144 : i32 to index
        %swap3A_145 = tpu.vector_load %arg12[%swap3A] {strides = array<i32>} : memref<1024xf32, #tpu.memory_space<vmem>>, vector<16xf32>,
        tpu.vector_store %arg12[%swap3A], %gather3A_142 {strides = array<i32>} : memref<1024xf32, #tpu.memory_space<vmem>>, vector<16xf32>,
        %add3A_146 = arith.constant 16 : i32
        %add3A_147 = vector.broadcast %add3A_146 : i32 to vector<16xi32>
        %add3A_148 = arith.addi %iota3A, %add3A_147 : vector<16xi32>
        %gather3A_149 = tpu.vector_load_idx %arg11[%broadcast_in_dim3A_96, %add3A_148, %and3A_126] : memref<3x64x512xf32, #tpu.memory_space<vmem>>[vector<16xi32>, vector<16xi32>, vector<16xi32>], vector<16xf32>,
        %add3A_150 = arith.constant 16 : i32
        %add3A_151 = arith.addi %multiple_of3A, %add3A_150 : i32
        %swap3A_152 = arith.index_cast %add3A_151 : i32 to index
        %swap3A_153 = tpu.vector_load %arg12[%swap3A_152] {strides = array<i32>} : memref<1024xf32, #tpu.memory_space<vmem>>, vector<16xf32>,
        tpu.vector_store %arg12[%swap3A_152], %gather3A_149 {strides = array<i32>} : memref<1024xf32, #tpu.memory_space<vmem>>, vector<16xf32>,
        %add3A_154 = arith.constant 32 : i32
        %add3A_155 = vector.broadcast %add3A_154 : i32 to vector<16xi32>
        %add3A_156 = arith.addi %iota3A, %add3A_155 : vector<16xi32>
        %gather3A_157 = tpu.vector_load_idx %arg11[%broadcast_in_dim3A_96, %add3A_156, %and3A_126] : memref<3x64x512xf32, #tpu.memory_space<vmem>>[vector<16xi32>, vector<16xi32>, vector<16xi32>], vector<16xf32>,
        %add3A_158 = arith.constant 32 : i32
        %add3A_159 = arith.addi %multiple_of3A, %add3A_158 : i32
        %swap3A_160 = arith.index_cast %add3A_159 : i32 to index
        %swap3A_161 = tpu.vector_load %arg12[%swap3A_160] {strides = array<i32>} : memref<1024xf32, #tpu.memory_space<vmem>>, vector<16xf32>,
        tpu.vector_store %arg12[%swap3A_160], %gather3A_157 {strides = array<i32>} : memref<1024xf32, #tpu.memory_space<vmem>>, vector<16xf32>,
        %add3A_162 = arith.constant 48 : i32
        %add3A_163 = vector.broadcast %add3A_162 : i32 to vector<16xi32>
        %add3A_164 = arith.addi %iota3A, %add3A_163 : vector<16xi32>
        %gather3A_165 = tpu.vector_load_idx %arg11[%broadcast_in_dim3A_96, %add3A_164, %and3A_126] : memref<3x64x512xf32, #tpu.memory_space<vmem>>[vector<16xi32>, vector<16xi32>, vector<16xi32>], vector<16xf32>,
        %add3A_166 = arith.constant 48 : i32
        %add3A_167 = arith.addi %multiple_of3A, %add3A_166 : i32
        %swap3A_168 = arith.index_cast %add3A_167 : i32 to index
        %swap3A_169 = tpu.vector_load %arg12[%swap3A_168] {strides = array<i32>} : memref<1024xf32, #tpu.memory_space<vmem>>, vector<16xf32>,
        tpu.vector_store %arg12[%swap3A_168], %gather3A_165 {strides = array<i32>} : memref<1024xf32, #tpu.memory_space<vmem>>, vector<16xf32>,
        %mul3A_170 = arith.constant 64 : i32
        %mul3A_171 = arith.muli %shift_right_arithmetic3A_127, %mul3A_170 : i32
        %multiple_of3A_172 = tpu.assume_multiple %mul3A_171, 8 : i32
        %dma_start3A = tpu.memref_slice %arg12[%multiple_of3A] : memref<1024xf32, #tpu.memory_space<vmem>> -> memref<64xf32, #tpu.memory_space<vmem>>
        %dma_start3A_173 = tpu.memref_slice %arg5[%multiple_of3A_172] : memref<262144xf32, #tpu.memory_space<hbm>> -> memref<64xf32, #tpu.memory_space<hbm>>
        %dma_start3A_174 = tpu.memref_slice %arg5[%multiple_of3A_172] : memref<262144xf32, #tpu.memory_space<hbm>> -> memref<64xf32, #tpu.memory_space<hbm>>
        %dma_start3A_175 = tpu.memref_slice %arg12[%multiple_of3A] : memref<1024xf32, #tpu.memory_space<vmem>> -> memref<64xf32, #tpu.memory_space<vmem>>
        tpu.enqueue_dma source(%dma_start3A_175 : memref<64xf32, #tpu.memory_space<vmem>>) target(%dma_start3A_174 : memref<64xf32, #tpu.memory_space<hbm>>) target_semaphore(%arg14 : memref<!tpu.dma_semaphore, #tpu.memory_space<semaphore_mem>>)
        %eq3A_176 = arith.constant 0 : i32
        %eq3A_177 = arith.cmpi eq, %rem3A_129, %eq3A_176 : i32
        %ge3A_178 = arith.constant 16 : i32
        %ge3A_179 = arith.cmpi sge, %while3A_121, %ge3A_178 : i32
        %and3A_180 = arith.andi %eq3A_177, %ge3A_179 : i1
        %add3A_181 = arith.constant 16 : i32
        %add3A_182 = arith.addi %while3A_122, %add3A_181 : i32
        %select_n3A_183 = arith.select %and3A_180, %add3A_182, %while3A_122 : i32
        %add3A_184 = arith.constant 1 : i32
        %add3A_185 = arith.addi %while3A_121, %add3A_184 : i32
        scf.yield %add3A_185, %select_n3A_183 : i32, i32
      }
      %while3A_118 = arith.constant 1 : i32
      %while3A_119:2 = scf.for %while3A_120 = %while3A_115 to %while3A_111 step %while3A_118 iter_args(%while3A_121 = %while3A_117#0, %while3A_122 = %while3A_117#1) -> (i32, i32)  : i32 {
        %broadcast_in_dim3A_123 = vector.broadcast %while3A_120 : i32 to vector<16xi32>
        %gather3A = tpu.vector_load_idx %arg10[%broadcast_in_dim3A_123] : memref<4096xi32, #tpu.memory_space<vmem>>[vector<16xi32>], vector<16xi32>,
        %and3A_124 = arith.constant 511 : i32
        %and3A_125 = vector.broadcast %and3A_124 : i32 to vector<16xi32>
        %and3A_126 = arith.andi %gather3A, %and3A_125 : vector<16xi32>
        %slice3A = vector.extract_strided_slice %gather3A {offsets = [0], sizes = [1], strides = [1]} : vector<16xi32> to vector<1xi32>
        %squeeze3A = vector.extract %slice3A[0] : i32 from vector<1xi32>
        %shift_right_arithmetic3A = arith.constant 9 : i32
        %shift_right_arithmetic3A_127 = arith.shrsi %squeeze3A, %shift_right_arithmetic3A : i32
        %rem3A_128 = arith.constant 16 : i32
        %rem3A_129 = arith.remsi %while3A_121, %rem3A_128 : i32
        %eq3A_130 = arith.constant 0 : i32
        %eq3A_131 = arith.cmpi eq, %rem3A_129, %eq3A_130 : i32
        %ge3A = arith.constant 16 : i32
        %ge3A_132 = arith.cmpi sge, %while3A_121, %ge3A : i32
        %and3A_133 = arith.andi %eq3A_131, %ge3A_132 : i1
        %convert_element_type3A_134 = arith.extui %and3A_133 : i1 to i32
        %cond3A_135 = arith.constant 0 : i32
        %cond3A_136 = arith.cmpi ne, %convert_element_type3A_134, %cond3A_135 : i32
        scf.if %cond3A_136 {
          %dma_wait3A = arith.constant 0 : i32
          %dma_wait3A_186 = tpu.memref_slice %arg5[%dma_wait3A] : memref<262144xf32, #tpu.memory_space<hbm>> -> memref<1024xf32, #tpu.memory_space<hbm>>
          %dma_wait3A_187 = arith.constant 0 : i32
          %dma_wait3A_188 = tpu.memref_slice %arg5[%dma_wait3A_187] : memref<262144xf32, #tpu.memory_space<hbm>> -> memref<1024xf32, #tpu.memory_space<hbm>>
          tpu.wait_dma2 semaphore(%arg14 : memref<!tpu.dma_semaphore, #tpu.memory_space<semaphore_mem>>) src(%dma_wait3A_188 : memref<1024xf32, #tpu.memory_space<hbm>>) dst(%arg12 : memref<1024xf32, #tpu.memory_space<vmem>>)
        } else {
        }
        %mul3A_137 = arith.constant 64 : i32
        %mul3A_138 = arith.muli %rem3A_129, %mul3A_137 : i32
        %multiple_of3A = tpu.assume_multiple %mul3A_138, 8 : i32
        %add3A_139 = arith.constant 0 : i32
        %add3A_140 = vector.broadcast %add3A_139 : i32 to vector<16xi32>
        %add3A_141 = arith.addi %iota3A, %add3A_140 : vector<16xi32>
        %gather3A_142 = tpu.vector_load_idx %arg11[%broadcast_in_dim3A_96, %add3A_141, %and3A_126] : memref<3x64x512xf32, #tpu.memory_space<vmem>>[vector<16xi32>, vector<16xi32>, vector<16xi32>], vector<16xf32>,
        %add3A_143 = arith.constant 0 : i32
        %add3A_144 = arith.addi %multiple_of3A, %add3A_143 : i32
        %swap3A = arith.index_cast %add3A_144 : i32 to index
        %swap3A_145 = tpu.vector_load %arg12[%swap3A] {strides = array<i32>} : memref<1024xf32, #tpu.memory_space<vmem>>, vector<16xf32>,
        tpu.vector_store %arg12[%swap3A], %gather3A_142 {strides = array<i32>} : memref<1024xf32, #tpu.memory_space<vmem>>, vector<16xf32>,
        %add3A_146 = arith.constant 16 : i32
        %add3A_147 = vector.broadcast %add3A_146 : i32 to vector<16xi32>
        %add3A_148 = arith.addi %iota3A, %add3A_147 : vector<16xi32>
        %gather3A_149 = tpu.vector_load_idx %arg11[%broadcast_in_dim3A_96, %add3A_148, %and3A_126] : memref<3x64x512xf32, #tpu.memory_space<vmem>>[vector<16xi32>, vector<16xi32>, vector<16xi32>], vector<16xf32>,
        %add3A_150 = arith.constant 16 : i32
        %add3A_151 = arith.addi %multiple_of3A, %add3A_150 : i32
        %swap3A_152 = arith.index_cast %add3A_151 : i32 to index
        %swap3A_153 = tpu.vector_load %arg12[%swap3A_152] {strides = array<i32>} : memref<1024xf32, #tpu.memory_space<vmem>>, vector<16xf32>,
        tpu.vector_store %arg12[%swap3A_152], %gather3A_149 {strides = array<i32>} : memref<1024xf32, #tpu.memory_space<vmem>>, vector<16xf32>,
        %add3A_154 = arith.constant 32 : i32
        %add3A_155 = vector.broadcast %add3A_154 : i32 to vector<16xi32>
        %add3A_156 = arith.addi %iota3A, %add3A_155 : vector<16xi32>
        %gather3A_157 = tpu.vector_load_idx %arg11[%broadcast_in_dim3A_96, %add3A_156, %and3A_126] : memref<3x64x512xf32, #tpu.memory_space<vmem>>[vector<16xi32>, vector<16xi32>, vector<16xi32>], vector<16xf32>,
        %add3A_158 = arith.constant 32 : i32
        %add3A_159 = arith.addi %multiple_of3A, %add3A_158 : i32
        %swap3A_160 = arith.index_cast %add3A_159 : i32 to index
        %swap3A_161 = tpu.vector_load %arg12[%swap3A_160] {strides = array<i32>} : memref<1024xf32, #tpu.memory_space<vmem>>, vector<16xf32>,
        tpu.vector_store %arg12[%swap3A_160], %gather3A_157 {strides = array<i32>} : memref<1024xf32, #tpu.memory_space<vmem>>, vector<16xf32>,
        %add3A_162 = arith.constant 48 : i32
        %add3A_163 = vector.broadcast %add3A_162 : i32 to vector<16xi32>
        %add3A_164 = arith.addi %iota3A, %add3A_163 : vector<16xi32>
        %gather3A_165 = tpu.vector_load_idx %arg11[%broadcast_in_dim3A_96, %add3A_164, %and3A_126] : memref<3x64x512xf32, #tpu.memory_space<vmem>>[vector<16xi32>, vector<16xi32>, vector<16xi32>], vector<16xf32>,
        %add3A_166 = arith.constant 48 : i32
        %add3A_167 = arith.addi %multiple_of3A, %add3A_166 : i32
        %swap3A_168 = arith.index_cast %add3A_167 : i32 to index
        %swap3A_169 = tpu.vector_load %arg12[%swap3A_168] {strides = array<i32>} : memref<1024xf32, #tpu.memory_space<vmem>>, vector<16xf32>,
        tpu.vector_store %arg12[%swap3A_168], %gather3A_165 {strides = array<i32>} : memref<1024xf32, #tpu.memory_space<vmem>>, vector<16xf32>,
        %mul3A_170 = arith.constant 64 : i32
        %mul3A_171 = arith.muli %shift_right_arithmetic3A_127, %mul3A_170 : i32
        %multiple_of3A_172 = tpu.assume_multiple %mul3A_171, 8 : i32
        %dma_start3A = tpu.memref_slice %arg12[%multiple_of3A] : memref<1024xf32, #tpu.memory_space<vmem>> -> memref<64xf32, #tpu.memory_space<vmem>>
        %dma_start3A_173 = tpu.memref_slice %arg5[%multiple_of3A_172] : memref<262144xf32, #tpu.memory_space<hbm>> -> memref<64xf32, #tpu.memory_space<hbm>>
        %dma_start3A_174 = tpu.memref_slice %arg5[%multiple_of3A_172] : memref<262144xf32, #tpu.memory_space<hbm>> -> memref<64xf32, #tpu.memory_space<hbm>>
        %dma_start3A_175 = tpu.memref_slice %arg12[%multiple_of3A] : memref<1024xf32, #tpu.memory_space<vmem>> -> memref<64xf32, #tpu.memory_space<vmem>>
        tpu.enqueue_dma source(%dma_start3A_175 : memref<64xf32, #tpu.memory_space<vmem>>) target(%dma_start3A_174 : memref<64xf32, #tpu.memory_space<hbm>>) target_semaphore(%arg14 : memref<!tpu.dma_semaphore, #tpu.memory_space<semaphore_mem>>)
        %eq3A_176 = arith.constant 0 : i32
        %eq3A_177 = arith.cmpi eq, %rem3A_129, %eq3A_176 : i32
        %ge3A_178 = arith.constant 16 : i32
        %ge3A_179 = arith.cmpi sge, %while3A_121, %ge3A_178 : i32
        %and3A_180 = arith.andi %eq3A_177, %ge3A_179 : i1
        %add3A_181 = arith.constant 16 : i32
        %add3A_182 = arith.addi %while3A_122, %add3A_181 : i32
        %select_n3A_183 = arith.select %and3A_180, %add3A_182, %while3A_122 : i32
        %add3A_184 = arith.constant 1 : i32
        %add3A_185 = arith.addi %while3A_121, %add3A_184 : i32
        scf.yield %add3A_185, %select_n3A_183 : i32, i32
      }
      scf.yield %while3A_119#0, %while3A_119#1 : i32, i32
    }
    %while3A_59 = arith.constant 1 : i32
    %while3A_60:2 = scf.for %while3A_71 = %while3A_56 to %while3A_52 step %while3A_59 iter_args(%while3A_72 = %while3A_58#0, %while3A_73 = %while3A_58#1) -> (i32, i32)  : i32 {
      %rem3A_74 = arith.constant 3 : i32
      %rem3A_75 = arith.remsi %while3A_71, %rem3A_74 : i32
      %add3A_76 = arith.constant 3 : i32
      %add3A_77 = arith.addi %while3A_71, %add3A_76 : i32
      %sub3A_78 = arith.constant 1 : i32
      %sub3A_79 = arith.subi %add3A_77, %sub3A_78 : i32
      %lt3A_80 = arith.cmpi slt, %sub3A_79, %select_n3A : i32
      %convert_element_type3A_81 = arith.extui %lt3A_80 : i1 to i32
      %cond3A_82 = arith.constant 0 : i32
      %cond3A_83 = arith.cmpi ne, %convert_element_type3A_81, %cond3A_82 : i32
      scf.if %cond3A_83 {
        %add3A_120 = arith.constant 3 : i32
        %add3A_121 = arith.addi %while3A_71, %add3A_120 : i32
        %sub3A_122 = arith.constant 1 : i32
        %sub3A_123 = arith.subi %add3A_121, %sub3A_122 : i32
        %rem3A_124 = arith.constant 3 : i32
        %rem3A_125 = arith.remsi %sub3A_123, %rem3A_124 : i32
        %add3A_126 = arith.addi %add3A_6, %sub3A_123 : i32
        %mul3A_127 = arith.constant 512 : i32
        %mul3A_128 = arith.muli %add3A_126, %mul3A_127 : i32
        %multiple_of3A = tpu.assume_multiple %mul3A_128, 128 : i32
        %eq3A_129 = arith.constant 195 : i32
        %eq3A_130 = arith.cmpi eq, %add3A_126, %eq3A_129 : i32
        %convert_element_type3A_131 = arith.extui %eq3A_130 : i1 to i32
        %cond3A_132 = arith.constant 0 : i32
        %cond3A_133 = arith.cmpi ne, %convert_element_type3A_131, %cond3A_132 : i32
        scf.if %cond3A_133 {
          %dma_start3A = arith.constant 0 : i32
          %dma_start3A_139 = arith.constant 0 : i32
          %dma_start3A_140 = tpu.memref_slice %arg11[%rem3A_125, %dma_start3A, %dma_start3A_139] : memref<3x64x512xf32, #tpu.memory_space<vmem>> -> memref<1x64x128xf32, #tpu.memory_space<vmem>>
          %dma_start3A_141 = tpu.memref_squeeze %dma_start3A_140 : memref<1x64x128xf32, #tpu.memory_space<vmem>> -> memref<64x128xf32, #tpu.memory_space<vmem>>
          %dma_start3A_142 = arith.constant 0 : i32
          %dma_start3A_143 = tpu.memref_slice %arg3[%dma_start3A_142, %multiple_of3A] : memref<64x100000xf32, #tpu.memory_space<hbm>> -> memref<64x128xf32, #tpu.memory_space<hbm>>
          %dma_start3A_144 = arith.constant 0 : i32
          %dma_start3A_145 = arith.constant 0 : i32
          %dma_start3A_146 = tpu.memref_slice %arg11[%rem3A_125, %dma_start3A_144, %dma_start3A_145] : memref<3x64x512xf32, #tpu.memory_space<vmem>> -> memref<1x64x128xf32, #tpu.memory_space<vmem>>
          %dma_start3A_147 = tpu.memref_squeeze %dma_start3A_146 : memref<1x64x128xf32, #tpu.memory_space<vmem>> -> memref<64x128xf32, #tpu.memory_space<vmem>>
          %dma_start3A_148 = arith.constant 0 : i32
          %dma_start3A_149 = tpu.memref_slice %arg3[%dma_start3A_148, %multiple_of3A] : memref<64x100000xf32, #tpu.memory_space<hbm>> -> memref<64x128xf32, #tpu.memory_space<hbm>>
          tpu.enqueue_dma source(%dma_start3A_149 : memref<64x128xf32, #tpu.memory_space<hbm>>) target(%dma_start3A_147 : memref<64x128xf32, #tpu.memory_space<vmem>>) target_semaphore(%arg13 : memref<!tpu.dma_semaphore, #tpu.memory_space<semaphore_mem>>)
          %dma_start3A_150 = arith.constant 0 : i32
          %dma_start3A_151 = arith.constant 128 : i32
          %dma_start3A_152 = tpu.memref_slice %arg11[%rem3A_125, %dma_start3A_150, %dma_start3A_151] : memref<3x64x512xf32, #tpu.memory_space<vmem>> -> memref<1x64x128xf32, #tpu.memory_space<vmem>>
          %dma_start3A_153 = tpu.memref_squeeze %dma_start3A_152 : memref<1x64x128xf32, #tpu.memory_space<vmem>> -> memref<64x128xf32, #tpu.memory_space<vmem>>
          %dma_start3A_154 = arith.constant 0 : i32
          %dma_start3A_155 = arith.constant 128 : i32
          %dma_start3A_156 = tpu.memref_slice %arg11[%rem3A_125, %dma_start3A_154, %dma_start3A_155] : memref<3x64x512xf32, #tpu.memory_space<vmem>> -> memref<1x64x128xf32, #tpu.memory_space<vmem>>
          %dma_start3A_157 = tpu.memref_squeeze %dma_start3A_156 : memref<1x64x128xf32, #tpu.memory_space<vmem>> -> memref<64x128xf32, #tpu.memory_space<vmem>>
          tpu.enqueue_dma source(%arg4 : memref<64x128xf32, #tpu.memory_space<hbm>>) target(%dma_start3A_157 : memref<64x128xf32, #tpu.memory_space<vmem>>) target_semaphore(%arg13 : memref<!tpu.dma_semaphore, #tpu.memory_space<semaphore_mem>>)
        } else {
        }
        %ne3A_134 = arith.constant 195 : i32
        %ne3A_135 = arith.cmpi ne, %add3A_126, %ne3A_134 : i32
        %convert_element_type3A_136 = arith.extui %ne3A_135 : i1 to i32
        %cond3A_137 = arith.constant 0 : i32
        %cond3A_138 = arith.cmpi ne, %convert_element_type3A_136, %cond3A_137 : i32
        scf.if %cond3A_138 {
          %dma_start3A = arith.constant 0 : i32
          %dma_start3A_139 = arith.constant 0 : i32
          %dma_start3A_140 = tpu.memref_slice %arg11[%rem3A_125, %dma_start3A, %dma_start3A_139] : memref<3x64x512xf32, #tpu.memory_space<vmem>> -> memref<1x64x512xf32, #tpu.memory_space<vmem>>
          %dma_start3A_141 = tpu.memref_squeeze %dma_start3A_140 : memref<1x64x512xf32, #tpu.memory_space<vmem>> -> memref<64x512xf32, #tpu.memory_space<vmem>>
          %dma_start3A_142 = arith.constant 0 : i32
          %dma_start3A_143 = tpu.memref_slice %arg3[%dma_start3A_142, %multiple_of3A] : memref<64x100000xf32, #tpu.memory_space<hbm>> -> memref<64x512xf32, #tpu.memory_space<hbm>>
          %dma_start3A_144 = arith.constant 0 : i32
          %dma_start3A_145 = arith.constant 0 : i32
          %dma_start3A_146 = tpu.memref_slice %arg11[%rem3A_125, %dma_start3A_144, %dma_start3A_145] : memref<3x64x512xf32, #tpu.memory_space<vmem>> -> memref<1x64x512xf32, #tpu.memory_space<vmem>>
          %dma_start3A_147 = tpu.memref_squeeze %dma_start3A_146 : memref<1x64x512xf32, #tpu.memory_space<vmem>> -> memref<64x512xf32, #tpu.memory_space<vmem>>
          %dma_start3A_148 = arith.constant 0 : i32
          %dma_start3A_149 = tpu.memref_slice %arg3[%dma_start3A_148, %multiple_of3A] : memref<64x100000xf32, #tpu.memory_space<hbm>> -> memref<64x512xf32, #tpu.memory_space<hbm>>
          tpu.enqueue_dma source(%dma_start3A_149 : memref<64x512xf32, #tpu.memory_space<hbm>>) target(%dma_start3A_147 : memref<64x512xf32, #tpu.memory_space<vmem>>) target_semaphore(%arg13 : memref<!tpu.dma_semaphore, #tpu.memory_space<semaphore_mem>>)
        } else {
        }
      } else {
      }
      %add3A_84 = arith.addi %add3A_6, %while3A_71 : i32
      %eq3A = arith.constant 195 : i32
      %eq3A_85 = arith.cmpi eq, %add3A_84, %eq3A : i32
      %convert_element_type3A_86 = arith.extui %eq3A_85 : i1 to i32
      %cond3A_87 = arith.constant 0 : i32
      %cond3A_88 = arith.cmpi ne, %convert_element_type3A_86, %cond3A_87 : i32
      scf.if %cond3A_88 {
        %dma_wait3A = arith.constant 0 : i32
        %dma_wait3A_120 = arith.constant 0 : i32
        %dma_wait3A_121 = tpu.memref_slice %arg11[%rem3A_75, %dma_wait3A, %dma_wait3A_120] : memref<3x64x512xf32, #tpu.memory_space<vmem>> -> memref<1x64x256xf32, #tpu.memory_space<vmem>>
        %dma_wait3A_122 = tpu.memref_squeeze %dma_wait3A_121 : memref<1x64x256xf32, #tpu.memory_space<vmem>> -> memref<64x256xf32, #tpu.memory_space<vmem>>
        %dma_wait3A_123 = arith.constant 0 : i32
        %dma_wait3A_124 = arith.constant 0 : i32
        %dma_wait3A_125 = tpu.memref_slice %arg3[%dma_wait3A_123, %dma_wait3A_124] : memref<64x100000xf32, #tpu.memory_space<hbm>> -> memref<64x256xf32, #tpu.memory_space<hbm>>
        %dma_wait3A_126 = arith.constant 0 : i32
        %dma_wait3A_127 = arith.constant 0 : i32
        %dma_wait3A_128 = tpu.memref_slice %arg11[%rem3A_75, %dma_wait3A_126, %dma_wait3A_127] : memref<3x64x512xf32, #tpu.memory_space<vmem>> -> memref<1x64x256xf32, #tpu.memory_space<vmem>>
        %dma_wait3A_129 = tpu.memref_squeeze %dma_wait3A_128 : memref<1x64x256xf32, #tpu.memory_space<vmem>> -> memref<64x256xf32, #tpu.memory_space<vmem>>
        %dma_wait3A_130 = arith.constant 0 : i32
        %dma_wait3A_131 = arith.constant 0 : i32
        %dma_wait3A_132 = tpu.memref_slice %arg3[%dma_wait3A_130, %dma_wait3A_131] : memref<64x100000xf32, #tpu.memory_space<hbm>> -> memref<64x256xf32, #tpu.memory_space<hbm>>
        tpu.wait_dma2 semaphore(%arg13 : memref<!tpu.dma_semaphore, #tpu.memory_space<semaphore_mem>>) src(%dma_wait3A_132 : memref<64x256xf32, #tpu.memory_space<hbm>>) dst(%dma_wait3A_129 : memref<64x256xf32, #tpu.memory_space<vmem>>)
      } else {
      }
      %add3A_89 = arith.addi %add3A_6, %while3A_71 : i32
      %ne3A_90 = arith.constant 195 : i32
      %ne3A_91 = arith.cmpi ne, %add3A_89, %ne3A_90 : i32
      %convert_element_type3A_92 = arith.extui %ne3A_91 : i1 to i32
      %cond3A_93 = arith.constant 0 : i32
      %cond3A_94 = arith.cmpi ne, %convert_element_type3A_92, %cond3A_93 : i32
      scf.if %cond3A_94 {
        %dma_wait3A = arith.constant 0 : i32
        %dma_wait3A_120 = arith.constant 0 : i32
        %dma_wait3A_121 = tpu.memref_slice %arg11[%rem3A_75, %dma_wait3A, %dma_wait3A_120] : memref<3x64x512xf32, #tpu.memory_space<vmem>> -> memref<1x64x512xf32, #tpu.memory_space<vmem>>
        %dma_wait3A_122 = tpu.memref_squeeze %dma_wait3A_121 : memref<1x64x512xf32, #tpu.memory_space<vmem>> -> memref<64x512xf32, #tpu.memory_space<vmem>>
        %dma_wait3A_123 = arith.constant 0 : i32
        %dma_wait3A_124 = arith.constant 0 : i32
        %dma_wait3A_125 = tpu.memref_slice %arg3[%dma_wait3A_123, %dma_wait3A_124] : memref<64x100000xf32, #tpu.memory_space<hbm>> -> memref<64x512xf32, #tpu.memory_space<hbm>>
        %dma_wait3A_126 = arith.constant 0 : i32
        %dma_wait3A_127 = arith.constant 0 : i32
        %dma_wait3A_128 = tpu.memref_slice %arg11[%rem3A_75, %dma_wait3A_126, %dma_wait3A_127] : memref<3x64x512xf32, #tpu.memory_space<vmem>> -> memref<1x64x512xf32, #tpu.memory_space<vmem>>
        %dma_wait3A_129 = tpu.memref_squeeze %dma_wait3A_128 : memref<1x64x512xf32, #tpu.memory_space<vmem>> -> memref<64x512xf32, #tpu.memory_space<vmem>>
        %dma_wait3A_130 = arith.constant 0 : i32
        %dma_wait3A_131 = arith.constant 0 : i32
        %dma_wait3A_132 = tpu.memref_slice %arg3[%dma_wait3A_130, %dma_wait3A_131] : memref<64x100000xf32, #tpu.memory_space<hbm>> -> memref<64x512xf32, #tpu.memory_space<hbm>>
        tpu.wait_dma2 semaphore(%arg13 : memref<!tpu.dma_semaphore, #tpu.memory_space<semaphore_mem>>) src(%dma_wait3A_132 : memref<64x512xf32, #tpu.memory_space<hbm>>) dst(%dma_wait3A_129 : memref<64x512xf32, #tpu.memory_space<vmem>>)
      } else {
      }
      %add3A_95 = arith.addi %add3A_6, %while3A_71 : i32
      %broadcast_in_dim3A_96 = vector.broadcast %rem3A_75 : i32 to vector<16xi32>
      %while3A_97 = arith.constant 0 : i32
      %while3A_98 = arith.constant 0 : i32
      %while3A_99 = arith.subi %select_n3A_48, %while3A_97 : i32
      %while3A_100 = arith.addi %while3A_97, %while3A_99 : i32
      %while3A_101 = arith.constant 1 : i32
      %while3A_102 = arith.divsi %while3A_99, %while3A_101 : i32
      %while3A_103 = arith.muli %while3A_102, %while3A_101 : i32
      %while3A_104 = arith.addi %while3A_97, %while3A_103 : i32
      %while3A_105 = arith.constant 1 : i32
      %while3A_106 = scf.for %while3A_120 = %while3A_97 to %while3A_104 step %while3A_105 iter_args(%while3A_121 = %while3A_98) -> (i32)  : i32 {
        %mul3A_122 = arith.constant 16 : i32
        %mul3A_123 = arith.muli %while3A_120, %mul3A_122 : i32
        %get3A = arith.index_cast %mul3A_123 : i32 to index
        %get3A_124 = tpu.vector_load %arg8[%get3A] {strides = array<i32>} : memref<4096xi32, #tpu.memory_space<vmem>>, vector<16xi32>,
        %mul3A_125 = arith.constant 16 : i32
        %mul3A_126 = arith.muli %while3A_120, %mul3A_125 : i32
        %get3A_127 = arith.index_cast %mul3A_126 : i32 to index
        %get3A_128 = tpu.vector_load %arg7[%get3A_127] {strides = array<i32>} : memref<4096xi32, #tpu.memory_space<vmem>>, vector<16xi32>,
        %mul3A_129 = arith.constant 16 : i32
        %mul3A_130 = arith.muli %while3A_120, %mul3A_129 : i32
        %get3A_131 = arith.index_cast %mul3A_130 : i32 to index
        %get3A_132 = tpu.vector_load %arg9[%get3A_131] {strides = array<i32>} : memref<4096xi32, #tpu.memory_space<vmem>>, vector<16xi32>,
        %mul3A_133 = arith.constant 16 : i32
        %mul3A_134 = arith.muli %while3A_120, %mul3A_133 : i32
        %add3A_135 = vector.broadcast %mul3A_134 : i32 to vector<16xi32>
        %add3A_136 = arith.addi %iota3A, %add3A_135 : vector<16xi32>
        %lt3A_137 = vector.broadcast %scan3A_25 : i32 to vector<16xi32>
        %lt3A_138 = arith.cmpi slt, %add3A_136, %lt3A_137 : vector<16xi32>
        %eq3A_139 = vector.broadcast %add3A_95 : i32 to vector<16xi32>
        %eq3A_140 = arith.cmpi eq, %get3A_124, %eq3A_139 : vector<16xi32>
        %and3A_141 = arith.andi %eq3A_140, %lt3A_138 : vector<16xi1>
        %select_n3A_142 = arith.select %and3A_141, %broadcast_in_dim3A_15, %broadcast_in_dim3A_17 : vector<16xi1>, vector<16xi32>
        %broadcast_in_dim3A_143 = arith.constant true
        %broadcast_in_dim3A_144 = vector.broadcast %broadcast_in_dim3A_143 : i1 to vector<16xi1>
        %masked_cumsum3A = tpu.scan <sum>, %select_n3A_142 masked %broadcast_in_dim3A_144 : vector<16xi32>, vector<16xi1> -> vector<16xi32>
        %broadcast_in_dim3A_145 = vector.broadcast %while3A_121 : i32 to vector<16xi32>
        %add3A_146 = arith.addi %broadcast_in_dim3A_145, %masked_cumsum3A : vector<16xi32>
        %sub3A_147 = arith.subi %add3A_146, %select_n3A_142 : vector<16xi32>
        %shift_left3A = arith.constant 9 : i32
        %shift_left3A_148 = vector.broadcast %shift_left3A : i32 to vector<16xi32>
        %shift_left3A_149 = arith.shli %get3A_128, %shift_left3A_148 : vector<16xi32>
        %or3A = arith.ori %shift_left3A_149, %get3A_132 : vector<16xi32>
        tpu.vector_store_idx %arg10[%sub3A_147], %or3A masked %and3A_141 : memref<4096xi32, #tpu.memory_space<vmem>>[vector<16xi32>], vector<16xi32>, vector<16xi1>
        %reduce_sum3A = arith.constant true
        %reduce_sum3A_150 = vector.broadcast %reduce_sum3A : i1 to vector<16xi1>
        %reduce_sum3A_151 = tpu.scan <sum>, %select_n3A_142 masked %reduce_sum3A_150 : vector<16xi32>, vector<16xi1> -> vector<16xi32>
        %reduce_sum3A_152 = vector.extract %reduce_sum3A_151[15] : i32 from vector<16xi32>
        %add3A_153 = arith.addi %while3A_121, %reduce_sum3A_152 : i32
        scf.yield %add3A_153 : i32
      }
      %while3A_107 = arith.constant 1 : i32
      %while3A_108 = scf.for %while3A_120 = %while3A_104 to %while3A_100 step %while3A_107 iter_args(%while3A_121 = %while3A_106) -> (i32)  : i32 {
        %mul3A_122 = arith.constant 16 : i32
        %mul3A_123 = arith.muli %while3A_120, %mul3A_122 : i32
        %get3A = arith.index_cast %mul3A_123 : i32 to index
        %get3A_124 = tpu.vector_load %arg8[%get3A] {strides = array<i32>} : memref<4096xi32, #tpu.memory_space<vmem>>, vector<16xi32>,
        %mul3A_125 = arith.constant 16 : i32
        %mul3A_126 = arith.muli %while3A_120, %mul3A_125 : i32
        %get3A_127 = arith.index_cast %mul3A_126 : i32 to index
        %get3A_128 = tpu.vector_load %arg7[%get3A_127] {strides = array<i32>} : memref<4096xi32, #tpu.memory_space<vmem>>, vector<16xi32>,
        %mul3A_129 = arith.constant 16 : i32
        %mul3A_130 = arith.muli %while3A_120, %mul3A_129 : i32
        %get3A_131 = arith.index_cast %mul3A_130 : i32 to index
        %get3A_132 = tpu.vector_load %arg9[%get3A_131] {strides = array<i32>} : memref<4096xi32, #tpu.memory_space<vmem>>, vector<16xi32>,
        %mul3A_133 = arith.constant 16 : i32
        %mul3A_134 = arith.muli %while3A_120, %mul3A_133 : i32
        %add3A_135 = vector.broadcast %mul3A_134 : i32 to vector<16xi32>
        %add3A_136 = arith.addi %iota3A, %add3A_135 : vector<16xi32>
        %lt3A_137 = vector.broadcast %scan3A_25 : i32 to vector<16xi32>
        %lt3A_138 = arith.cmpi slt, %add3A_136, %lt3A_137 : vector<16xi32>
        %eq3A_139 = vector.broadcast %add3A_95 : i32 to vector<16xi32>
        %eq3A_140 = arith.cmpi eq, %get3A_124, %eq3A_139 : vector<16xi32>
        %and3A_141 = arith.andi %eq3A_140, %lt3A_138 : vector<16xi1>
        %select_n3A_142 = arith.select %and3A_141, %broadcast_in_dim3A_15, %broadcast_in_dim3A_17 : vector<16xi1>, vector<16xi32>
        %broadcast_in_dim3A_143 = arith.constant true
        %broadcast_in_dim3A_144 = vector.broadcast %broadcast_in_dim3A_143 : i1 to vector<16xi1>
        %masked_cumsum3A = tpu.scan <sum>, %select_n3A_142 masked %broadcast_in_dim3A_144 : vector<16xi32>, vector<16xi1> -> vector<16xi32>
        %broadcast_in_dim3A_145 = vector.broadcast %while3A_121 : i32 to vector<16xi32>
        %add3A_146 = arith.addi %broadcast_in_dim3A_145, %masked_cumsum3A : vector<16xi32>
        %sub3A_147 = arith.subi %add3A_146, %select_n3A_142 : vector<16xi32>
        %shift_left3A = arith.constant 9 : i32
        %shift_left3A_148 = vector.broadcast %shift_left3A : i32 to vector<16xi32>
        %shift_left3A_149 = arith.shli %get3A_128, %shift_left3A_148 : vector<16xi32>
        %or3A = arith.ori %shift_left3A_149, %get3A_132 : vector<16xi32>
        tpu.vector_store_idx %arg10[%sub3A_147], %or3A masked %and3A_141 : memref<4096xi32, #tpu.memory_space<vmem>>[vector<16xi32>], vector<16xi32>, vector<16xi1>
        %reduce_sum3A = arith.constant true
        %reduce_sum3A_150 = vector.broadcast %reduce_sum3A : i1 to vector<16xi1>
        %reduce_sum3A_151 = tpu.scan <sum>, %select_n3A_142 masked %reduce_sum3A_150 : vector<16xi32>, vector<16xi1> -> vector<16xi32>
        %reduce_sum3A_152 = vector.extract %reduce_sum3A_151[15] : i32 from vector<16xi32>
        %add3A_153 = arith.addi %while3A_121, %reduce_sum3A_152 : i32
        scf.yield %add3A_153 : i32
      }
      %while3A_109 = arith.constant 0 : i32
      %while3A_110 = arith.subi %while3A_108, %while3A_109 : i32
      %while3A_111 = arith.addi %while3A_109, %while3A_110 : i32
      %while3A_112 = arith.constant 1 : i32
      %while3A_113 = arith.divsi %while3A_110, %while3A_112 : i32
      %while3A_114 = arith.muli %while3A_113, %while3A_112 : i32
      %while3A_115 = arith.addi %while3A_109, %while3A_114 : i32
      %while3A_116 = arith.constant 1 : i32
      %while3A_117:2 = scf.for %while3A_120 = %while3A_109 to %while3A_115 step %while3A_116 iter_args(%while3A_121 = %while3A_72, %while3A_122 = %while3A_73) -> (i32, i32)  : i32 {
        %broadcast_in_dim3A_123 = vector.broadcast %while3A_120 : i32 to vector<16xi32>
        %gather3A = tpu.vector_load_idx %arg10[%broadcast_in_dim3A_123] : memref<4096xi32, #tpu.memory_space<vmem>>[vector<16xi32>], vector<16xi32>,
        %and3A_124 = arith.constant 511 : i32
        %and3A_125 = vector.broadcast %and3A_124 : i32 to vector<16xi32>
        %and3A_126 = arith.andi %gather3A, %and3A_125 : vector<16xi32>
        %slice3A = vector.extract_strided_slice %gather3A {offsets = [0], sizes = [1], strides = [1]} : vector<16xi32> to vector<1xi32>
        %squeeze3A = vector.extract %slice3A[0] : i32 from vector<1xi32>
        %shift_right_arithmetic3A = arith.constant 9 : i32
        %shift_right_arithmetic3A_127 = arith.shrsi %squeeze3A, %shift_right_arithmetic3A : i32
        %rem3A_128 = arith.constant 16 : i32
        %rem3A_129 = arith.remsi %while3A_121, %rem3A_128 : i32
        %eq3A_130 = arith.constant 0 : i32
        %eq3A_131 = arith.cmpi eq, %rem3A_129, %eq3A_130 : i32
        %ge3A = arith.constant 16 : i32
        %ge3A_132 = arith.cmpi sge, %while3A_121, %ge3A : i32
        %and3A_133 = arith.andi %eq3A_131, %ge3A_132 : i1
        %convert_element_type3A_134 = arith.extui %and3A_133 : i1 to i32
        %cond3A_135 = arith.constant 0 : i32
        %cond3A_136 = arith.cmpi ne, %convert_element_type3A_134, %cond3A_135 : i32
        scf.if %cond3A_136 {
          %dma_wait3A = arith.constant 0 : i32
          %dma_wait3A_186 = tpu.memref_slice %arg5[%dma_wait3A] : memref<262144xf32, #tpu.memory_space<hbm>> -> memref<1024xf32, #tpu.memory_space<hbm>>
          %dma_wait3A_187 = arith.constant 0 : i32
          %dma_wait3A_188 = tpu.memref_slice %arg5[%dma_wait3A_187] : memref<262144xf32, #tpu.memory_space<hbm>> -> memref<1024xf32, #tpu.memory_space<hbm>>
          tpu.wait_dma2 semaphore(%arg14 : memref<!tpu.dma_semaphore, #tpu.memory_space<semaphore_mem>>) src(%dma_wait3A_188 : memref<1024xf32, #tpu.memory_space<hbm>>) dst(%arg12 : memref<1024xf32, #tpu.memory_space<vmem>>)
        } else {
        }
        %mul3A_137 = arith.constant 64 : i32
        %mul3A_138 = arith.muli %rem3A_129, %mul3A_137 : i32
        %multiple_of3A = tpu.assume_multiple %mul3A_138, 8 : i32
        %add3A_139 = arith.constant 0 : i32
        %add3A_140 = vector.broadcast %add3A_139 : i32 to vector<16xi32>
        %add3A_141 = arith.addi %iota3A, %add3A_140 : vector<16xi32>
        %gather3A_142 = tpu.vector_load_idx %arg11[%broadcast_in_dim3A_96, %add3A_141, %and3A_126] : memref<3x64x512xf32, #tpu.memory_space<vmem>>[vector<16xi32>, vector<16xi32>, vector<16xi32>], vector<16xf32>,
        %add3A_143 = arith.constant 0 : i32
        %add3A_144 = arith.addi %multiple_of3A, %add3A_143 : i32
        %swap3A = arith.index_cast %add3A_144 : i32 to index
        %swap3A_145 = tpu.vector_load %arg12[%swap3A] {strides = array<i32>} : memref<1024xf32, #tpu.memory_space<vmem>>, vector<16xf32>,
        tpu.vector_store %arg12[%swap3A], %gather3A_142 {strides = array<i32>} : memref<1024xf32, #tpu.memory_space<vmem>>, vector<16xf32>,
        %add3A_146 = arith.constant 16 : i32
        %add3A_147 = vector.broadcast %add3A_146 : i32 to vector<16xi32>
        %add3A_148 = arith.addi %iota3A, %add3A_147 : vector<16xi32>
        %gather3A_149 = tpu.vector_load_idx %arg11[%broadcast_in_dim3A_96, %add3A_148, %and3A_126] : memref<3x64x512xf32, #tpu.memory_space<vmem>>[vector<16xi32>, vector<16xi32>, vector<16xi32>], vector<16xf32>,
        %add3A_150 = arith.constant 16 : i32
        %add3A_151 = arith.addi %multiple_of3A, %add3A_150 : i32
        %swap3A_152 = arith.index_cast %add3A_151 : i32 to index
        %swap3A_153 = tpu.vector_load %arg12[%swap3A_152] {strides = array<i32>} : memref<1024xf32, #tpu.memory_space<vmem>>, vector<16xf32>,
        tpu.vector_store %arg12[%swap3A_152], %gather3A_149 {strides = array<i32>} : memref<1024xf32, #tpu.memory_space<vmem>>, vector<16xf32>,
        %add3A_154 = arith.constant 32 : i32
        %add3A_155 = vector.broadcast %add3A_154 : i32 to vector<16xi32>
        %add3A_156 = arith.addi %iota3A, %add3A_155 : vector<16xi32>
        %gather3A_157 = tpu.vector_load_idx %arg11[%broadcast_in_dim3A_96, %add3A_156, %and3A_126] : memref<3x64x512xf32, #tpu.memory_space<vmem>>[vector<16xi32>, vector<16xi32>, vector<16xi32>], vector<16xf32>,
        %add3A_158 = arith.constant 32 : i32
        %add3A_159 = arith.addi %multiple_of3A, %add3A_158 : i32
        %swap3A_160 = arith.index_cast %add3A_159 : i32 to index
        %swap3A_161 = tpu.vector_load %arg12[%swap3A_160] {strides = array<i32>} : memref<1024xf32, #tpu.memory_space<vmem>>, vector<16xf32>,
        tpu.vector_store %arg12[%swap3A_160], %gather3A_157 {strides = array<i32>} : memref<1024xf32, #tpu.memory_space<vmem>>, vector<16xf32>,
        %add3A_162 = arith.constant 48 : i32
        %add3A_163 = vector.broadcast %add3A_162 : i32 to vector<16xi32>
        %add3A_164 = arith.addi %iota3A, %add3A_163 : vector<16xi32>
        %gather3A_165 = tpu.vector_load_idx %arg11[%broadcast_in_dim3A_96, %add3A_164, %and3A_126] : memref<3x64x512xf32, #tpu.memory_space<vmem>>[vector<16xi32>, vector<16xi32>, vector<16xi32>], vector<16xf32>,
        %add3A_166 = arith.constant 48 : i32
        %add3A_167 = arith.addi %multiple_of3A, %add3A_166 : i32
        %swap3A_168 = arith.index_cast %add3A_167 : i32 to index
        %swap3A_169 = tpu.vector_load %arg12[%swap3A_168] {strides = array<i32>} : memref<1024xf32, #tpu.memory_space<vmem>>, vector<16xf32>,
        tpu.vector_store %arg12[%swap3A_168], %gather3A_165 {strides = array<i32>} : memref<1024xf32, #tpu.memory_space<vmem>>, vector<16xf32>,
        %mul3A_170 = arith.constant 64 : i32
        %mul3A_171 = arith.muli %shift_right_arithmetic3A_127, %mul3A_170 : i32
        %multiple_of3A_172 = tpu.assume_multiple %mul3A_171, 8 : i32
        %dma_start3A = tpu.memref_slice %arg12[%multiple_of3A] : memref<1024xf32, #tpu.memory_space<vmem>> -> memref<64xf32, #tpu.memory_space<vmem>>
        %dma_start3A_173 = tpu.memref_slice %arg5[%multiple_of3A_172] : memref<262144xf32, #tpu.memory_space<hbm>> -> memref<64xf32, #tpu.memory_space<hbm>>
        %dma_start3A_174 = tpu.memref_slice %arg5[%multiple_of3A_172] : memref<262144xf32, #tpu.memory_space<hbm>> -> memref<64xf32, #tpu.memory_space<hbm>>
        %dma_start3A_175 = tpu.memref_slice %arg12[%multiple_of3A] : memref<1024xf32, #tpu.memory_space<vmem>> -> memref<64xf32, #tpu.memory_space<vmem>>
        tpu.enqueue_dma source(%dma_start3A_175 : memref<64xf32, #tpu.memory_space<vmem>>) target(%dma_start3A_174 : memref<64xf32, #tpu.memory_space<hbm>>) target_semaphore(%arg14 : memref<!tpu.dma_semaphore, #tpu.memory_space<semaphore_mem>>)
        %eq3A_176 = arith.constant 0 : i32
        %eq3A_177 = arith.cmpi eq, %rem3A_129, %eq3A_176 : i32
        %ge3A_178 = arith.constant 16 : i32
        %ge3A_179 = arith.cmpi sge, %while3A_121, %ge3A_178 : i32
        %and3A_180 = arith.andi %eq3A_177, %ge3A_179 : i1
        %add3A_181 = arith.constant 16 : i32
        %add3A_182 = arith.addi %while3A_122, %add3A_181 : i32
        %select_n3A_183 = arith.select %and3A_180, %add3A_182, %while3A_122 : i32
        %add3A_184 = arith.constant 1 : i32
        %add3A_185 = arith.addi %while3A_121, %add3A_184 : i32
        scf.yield %add3A_185, %select_n3A_183 : i32, i32
      }
      %while3A_118 = arith.constant 1 : i32
      %while3A_119:2 = scf.for %while3A_120 = %while3A_115 to %while3A_111 step %while3A_118 iter_args(%while3A_121 = %while3A_117#0, %while3A_122 = %while3A_117#1) -> (i32, i32)  : i32 {
        %broadcast_in_dim3A_123 = vector.broadcast %while3A_120 : i32 to vector<16xi32>
        %gather3A = tpu.vector_load_idx %arg10[%broadcast_in_dim3A_123] : memref<4096xi32, #tpu.memory_space<vmem>>[vector<16xi32>], vector<16xi32>,
        %and3A_124 = arith.constant 511 : i32
        %and3A_125 = vector.broadcast %and3A_124 : i32 to vector<16xi32>
        %and3A_126 = arith.andi %gather3A, %and3A_125 : vector<16xi32>
        %slice3A = vector.extract_strided_slice %gather3A {offsets = [0], sizes = [1], strides = [1]} : vector<16xi32> to vector<1xi32>
        %squeeze3A = vector.extract %slice3A[0] : i32 from vector<1xi32>
        %shift_right_arithmetic3A = arith.constant 9 : i32
        %shift_right_arithmetic3A_127 = arith.shrsi %squeeze3A, %shift_right_arithmetic3A : i32
        %rem3A_128 = arith.constant 16 : i32
        %rem3A_129 = arith.remsi %while3A_121, %rem3A_128 : i32
        %eq3A_130 = arith.constant 0 : i32
        %eq3A_131 = arith.cmpi eq, %rem3A_129, %eq3A_130 : i32
        %ge3A = arith.constant 16 : i32
        %ge3A_132 = arith.cmpi sge, %while3A_121, %ge3A : i32
        %and3A_133 = arith.andi %eq3A_131, %ge3A_132 : i1
        %convert_element_type3A_134 = arith.extui %and3A_133 : i1 to i32
        %cond3A_135 = arith.constant 0 : i32
        %cond3A_136 = arith.cmpi ne, %convert_element_type3A_134, %cond3A_135 : i32
        scf.if %cond3A_136 {
          %dma_wait3A = arith.constant 0 : i32
          %dma_wait3A_186 = tpu.memref_slice %arg5[%dma_wait3A] : memref<262144xf32, #tpu.memory_space<hbm>> -> memref<1024xf32, #tpu.memory_space<hbm>>
          %dma_wait3A_187 = arith.constant 0 : i32
          %dma_wait3A_188 = tpu.memref_slice %arg5[%dma_wait3A_187] : memref<262144xf32, #tpu.memory_space<hbm>> -> memref<1024xf32, #tpu.memory_space<hbm>>
          tpu.wait_dma2 semaphore(%arg14 : memref<!tpu.dma_semaphore, #tpu.memory_space<semaphore_mem>>) src(%dma_wait3A_188 : memref<1024xf32, #tpu.memory_space<hbm>>) dst(%arg12 : memref<1024xf32, #tpu.memory_space<vmem>>)
        } else {
        }
        %mul3A_137 = arith.constant 64 : i32
        %mul3A_138 = arith.muli %rem3A_129, %mul3A_137 : i32
        %multiple_of3A = tpu.assume_multiple %mul3A_138, 8 : i32
        %add3A_139 = arith.constant 0 : i32
        %add3A_140 = vector.broadcast %add3A_139 : i32 to vector<16xi32>
        %add3A_141 = arith.addi %iota3A, %add3A_140 : vector<16xi32>
        %gather3A_142 = tpu.vector_load_idx %arg11[%broadcast_in_dim3A_96, %add3A_141, %and3A_126] : memref<3x64x512xf32, #tpu.memory_space<vmem>>[vector<16xi32>, vector<16xi32>, vector<16xi32>], vector<16xf32>,
        %add3A_143 = arith.constant 0 : i32
        %add3A_144 = arith.addi %multiple_of3A, %add3A_143 : i32
        %swap3A = arith.index_cast %add3A_144 : i32 to index
        %swap3A_145 = tpu.vector_load %arg12[%swap3A] {strides = array<i32>} : memref<1024xf32, #tpu.memory_space<vmem>>, vector<16xf32>,
        tpu.vector_store %arg12[%swap3A], %gather3A_142 {strides = array<i32>} : memref<1024xf32, #tpu.memory_space<vmem>>, vector<16xf32>,
        %add3A_146 = arith.constant 16 : i32
        %add3A_147 = vector.broadcast %add3A_146 : i32 to vector<16xi32>
        %add3A_148 = arith.addi %iota3A, %add3A_147 : vector<16xi32>
        %gather3A_149 = tpu.vector_load_idx %arg11[%broadcast_in_dim3A_96, %add3A_148, %and3A_126] : memref<3x64x512xf32, #tpu.memory_space<vmem>>[vector<16xi32>, vector<16xi32>, vector<16xi32>], vector<16xf32>,
        %add3A_150 = arith.constant 16 : i32
        %add3A_151 = arith.addi %multiple_of3A, %add3A_150 : i32
        %swap3A_152 = arith.index_cast %add3A_151 : i32 to index
        %swap3A_153 = tpu.vector_load %arg12[%swap3A_152] {strides = array<i32>} : memref<1024xf32, #tpu.memory_space<vmem>>, vector<16xf32>,
        tpu.vector_store %arg12[%swap3A_152], %gather3A_149 {strides = array<i32>} : memref<1024xf32, #tpu.memory_space<vmem>>, vector<16xf32>,
        %add3A_154 = arith.constant 32 : i32
        %add3A_155 = vector.broadcast %add3A_154 : i32 to vector<16xi32>
        %add3A_156 = arith.addi %iota3A, %add3A_155 : vector<16xi32>
        %gather3A_157 = tpu.vector_load_idx %arg11[%broadcast_in_dim3A_96, %add3A_156, %and3A_126] : memref<3x64x512xf32, #tpu.memory_space<vmem>>[vector<16xi32>, vector<16xi32>, vector<16xi32>], vector<16xf32>,
        %add3A_158 = arith.constant 32 : i32
        %add3A_159 = arith.addi %multiple_of3A, %add3A_158 : i32
        %swap3A_160 = arith.index_cast %add3A_159 : i32 to index
        %swap3A_161 = tpu.vector_load %arg12[%swap3A_160] {strides = array<i32>} : memref<1024xf32, #tpu.memory_space<vmem>>, vector<16xf32>,
        tpu.vector_store %arg12[%swap3A_160], %gather3A_157 {strides = array<i32>} : memref<1024xf32, #tpu.memory_space<vmem>>, vector<16xf32>,
        %add3A_162 = arith.constant 48 : i32
        %add3A_163 = vector.broadcast %add3A_162 : i32 to vector<16xi32>
        %add3A_164 = arith.addi %iota3A, %add3A_163 : vector<16xi32>
        %gather3A_165 = tpu.vector_load_idx %arg11[%broadcast_in_dim3A_96, %add3A_164, %and3A_126] : memref<3x64x512xf32, #tpu.memory_space<vmem>>[vector<16xi32>, vector<16xi32>, vector<16xi32>], vector<16xf32>,
        %add3A_166 = arith.constant 48 : i32
        %add3A_167 = arith.addi %multiple_of3A, %add3A_166 : i32
        %swap3A_168 = arith.index_cast %add3A_167 : i32 to index
        %swap3A_169 = tpu.vector_load %arg12[%swap3A_168] {strides = array<i32>} : memref<1024xf32, #tpu.memory_space<vmem>>, vector<16xf32>,
        tpu.vector_store %arg12[%swap3A_168], %gather3A_165 {strides = array<i32>} : memref<1024xf32, #tpu.memory_space<vmem>>, vector<16xf32>,
        %mul3A_170 = arith.constant 64 : i32
        %mul3A_171 = arith.muli %shift_right_arithmetic3A_127, %mul3A_170 : i32
        %multiple_of3A_172 = tpu.assume_multiple %mul3A_171, 8 : i32
        %dma_start3A = tpu.memref_slice %arg12[%multiple_of3A] : memref<1024xf32, #tpu.memory_space<vmem>> -> memref<64xf32, #tpu.memory_space<vmem>>
        %dma_start3A_173 = tpu.memref_slice %arg5[%multiple_of3A_172] : memref<262144xf32, #tpu.memory_space<hbm>> -> memref<64xf32, #tpu.memory_space<hbm>>
        %dma_start3A_174 = tpu.memref_slice %arg5[%multiple_of3A_172] : memref<262144xf32, #tpu.memory_space<hbm>> -> memref<64xf32, #tpu.memory_space<hbm>>
        %dma_start3A_175 = tpu.memref_slice %arg12[%multiple_of3A] : memref<1024xf32, #tpu.memory_space<vmem>> -> memref<64xf32, #tpu.memory_space<vmem>>
        tpu.enqueue_dma source(%dma_start3A_175 : memref<64xf32, #tpu.memory_space<vmem>>) target(%dma_start3A_174 : memref<64xf32, #tpu.memory_space<hbm>>) target_semaphore(%arg14 : memref<!tpu.dma_semaphore, #tpu.memory_space<semaphore_mem>>)
        %eq3A_176 = arith.constant 0 : i32
        %eq3A_177 = arith.cmpi eq, %rem3A_129, %eq3A_176 : i32
        %ge3A_178 = arith.constant 16 : i32
        %ge3A_179 = arith.cmpi sge, %while3A_121, %ge3A_178 : i32
        %and3A_180 = arith.andi %eq3A_177, %ge3A_179 : i1
        %add3A_181 = arith.constant 16 : i32
        %add3A_182 = arith.addi %while3A_122, %add3A_181 : i32
        %select_n3A_183 = arith.select %and3A_180, %add3A_182, %while3A_122 : i32
        %add3A_184 = arith.constant 1 : i32
        %add3A_185 = arith.addi %while3A_121, %add3A_184 : i32
        scf.yield %add3A_185, %select_n3A_183 : i32, i32
      }
      scf.yield %while3A_119#0, %while3A_119#1 : i32, i32
    }
    %sub3A_61 = arith.subi %while3A_60#0, %while3A_60#1 : i32
    %while3A_62 = arith.constant 0 : i32
    %while3A_63 = arith.subi %sub3A_61, %while3A_62 : i32
    %while3A_64 = arith.addi %while3A_62, %while3A_63 : i32
    %while3A_65 = arith.constant 1 : i32
    %while3A_66 = arith.divsi %while3A_63, %while3A_65 : i32
    %while3A_67 = arith.muli %while3A_66, %while3A_65 : i32
    %while3A_68 = arith.addi %while3A_62, %while3A_67 : i32
    %while3A_69 = arith.constant 1 : i32
    scf.for %while3A_71 = %while3A_62 to %while3A_68 step %while3A_69  : i32 {
      %dma_wait3A = arith.constant 0 : i32
      %dma_wait3A_72 = tpu.memref_slice %arg12[%dma_wait3A] : memref<1024xf32, #tpu.memory_space<vmem>> -> memref<64xf32, #tpu.memory_space<vmem>>
      %dma_wait3A_73 = arith.constant 0 : i32
      %dma_wait3A_74 = tpu.memref_slice %arg5[%dma_wait3A_73] : memref<262144xf32, #tpu.memory_space<hbm>> -> memref<64xf32, #tpu.memory_space<hbm>>
      %dma_wait3A_75 = arith.constant 0 : i32
      %dma_wait3A_76 = tpu.memref_slice %arg12[%dma_wait3A_75] : memref<1024xf32, #tpu.memory_space<vmem>> -> memref<64xf32, #tpu.memory_space<vmem>>
      %dma_wait3A_77 = arith.constant 0 : i32
      %dma_wait3A_78 = tpu.memref_slice %arg5[%dma_wait3A_77] : memref<262144xf32, #tpu.memory_space<hbm>> -> memref<64xf32, #tpu.memory_space<hbm>>
      tpu.wait_dma2 semaphore(%arg14 : memref<!tpu.dma_semaphore, #tpu.memory_space<semaphore_mem>>) src(%dma_wait3A_78 : memref<64xf32, #tpu.memory_space<hbm>>) dst(%dma_wait3A_76 : memref<64xf32, #tpu.memory_space<vmem>>)
    }
    %while3A_70 = arith.constant 1 : i32
    scf.for %while3A_71 = %while3A_68 to %while3A_64 step %while3A_70  : i32 {
      %dma_wait3A = arith.constant 0 : i32
      %dma_wait3A_72 = tpu.memref_slice %arg12[%dma_wait3A] : memref<1024xf32, #tpu.memory_space<vmem>> -> memref<64xf32, #tpu.memory_space<vmem>>
      %dma_wait3A_73 = arith.constant 0 : i32
      %dma_wait3A_74 = tpu.memref_slice %arg5[%dma_wait3A_73] : memref<262144xf32, #tpu.memory_space<hbm>> -> memref<64xf32, #tpu.memory_space<hbm>>
      %dma_wait3A_75 = arith.constant 0 : i32
      %dma_wait3A_76 = tpu.memref_slice %arg12[%dma_wait3A_75] : memref<1024xf32, #tpu.memory_space<vmem>> -> memref<64xf32, #tpu.memory_space<vmem>>
      %dma_wait3A_77 = arith.constant 0 : i32
      %dma_wait3A_78 = tpu.memref_slice %arg5[%dma_wait3A_77] : memref<262144xf32, #tpu.memory_space<hbm>> -> memref<64xf32, #tpu.memory_space<hbm>>
      tpu.wait_dma2 semaphore(%arg14 : memref<!tpu.dma_semaphore, #tpu.memory_space<semaphore_mem>>) src(%dma_wait3A_78 : memref<64xf32, #tpu.memory_space<hbm>>) dst(%dma_wait3A_76 : memref<64xf32, #tpu.memory_space<vmem>>)
    }
    return
  }
}

</mosaic_0001>

<sc_bundles>
// kernel: kernel.3.cloned.1.call-start
scs
__scs_entry_jumppad:
0x0: {  	(pc) =	sbr.rel $0x88, $3  }
0x1: {  	(tag) =	ssettag $0x0;
	lr =	simm.s32 $0x1  }
0x2: {  	[smem:$0x3F9F] =	sst lr;
	_ =	strace $0xD0000000  }
0x3: {  	_ = 	snop  }
0x4: {  	_ = 	snop  }
0x5: {  	_ = 	snop  }
0x6: {  	_ = 	snop  }
0x7: {  	_ = 	snop  }
__scs_overlays_trampoline_lowered:
0x8: {  	[smem:$0x3FAE] =	sst s0  }
0x9: {  	[smem:$0x3FAF] =	sst s1  }
0xa: {  	[smem:$0x3FB0] =	sst s2  }
0xb: {  	[smem:$0x3FB1] =	sst s3  }
0xc: {  	[smem:$0x3FB2] =	sst s4  }
0xd: {  	[smem:$0x3FB3] =	sst s5  }
0xe: {  	[smem:$0x3FB4] =	sst s6  }
0xf: {  	[smem:$0x3FB5] =	sst s7  }
0x10: {  	[smem:$0x3FB6] =	sst s8  }
0x11: {  	[smem:$0x3FB7] =	sst s9;
	s0 =	simm.s32 @!p0 $0x0  }
0x12: {  	s1 =	sld [smem:$0x3F9D];
	s0 =	simm.s32 @p0 $0x1  }
0x13: {  	[smem:$0x3FB8] =	sst s0;
	s0 =	simm.s32 @!p1 $0x0  }
0x14: {  	s2 =	sld [smem:$0x3F9C];
	s0 =	simm.s32 @p1 $0x1  }
0x15: {  	[smem:$0x3FB9] =	sst s0;
	s0 =	simm.s32 @!p2 $0x0  }
0x16: {  	s3 =	sld [smem:$0x3FDB];
	s0 =	simm.s32 @p2 $0x1  }
0x17: {  	s4 =	simm.s32 $0x1BF5;
	[smem:$0x3FBB] =	sst s0  }
0x18: {  	s0 =	sld [smem:$0x3F9E];
	_ =	swait.ge [sflag:s4], $0x0  }
0x19: {  	s7 =	sld [smem:$0x3F9F]  }
0x1a: {  	s8 =	sadd.s32 $0xFFFFE003, lr  }
0x1b: {  	s9 =	sadd.s32 $0xFFFFFEF7, lr;
	s5 =	simm.s32 $0xFFFFFFFF;
	p2 =	slt.u32 s8, $0xFFFFF086  }
0x1c: {  	p1 =	slt.u32 s9, $0xF7A;
	s5 =	simm.s32 @!p2 $0x0  }
0x1d: {  	s5 =	simm.s32 @p1 $0x1;
	p0 =	seq.s32 s7, s2  }
0x1e: {  	s7 =	smul.u32 @!p0 $0xF7A, s2;
	p2 =	seq.s32 @!p0 s5, $0x0  }
0x1f: {  	s9 =	smul.u32 $0xF7A, s1;
	s8 =	simm.s32 @!p0 $0x1BF5;
	p2 =	por !p2, p0  }
0x20: {  	[sflag:s8] =	ssyncset.s32 @!p0 $0xFFFFF086;
	s6 =	sadd.s32 @!p0 s3, s7;
	s7 =	simm.s32 @!p0 $0x108  }
0x21: {  	s3 =	sadd.s32 s3, s9;
	s6 =	sadd.s32 @!p0 $0x88, s6;
	s7 =	simm.s32 @p2 $0x1082  }
0x22: {  	[simem:s7], [sflag:s8] =	dma.local @!p0 [hbm:s6], $0xF7A  }
0x23: {  	s9 =	sor.u32 $0xD0000000, s2;
	s6 =	simm.s32 $0x108;
	_ =	swait.ge @!p0 [sflag:s8], $0x0  }
0x24: {  	s3 =	sadd.s32 $0x88, s3;
	s6 =	simm.s32 @!p1 $0x1082;
	[sflag:s4] =	ssyncset.s32 $0xFFFFF086  }
0x25: {  	[simem:s6], [sflag:s4] =	dma.local [hbm:s3], $0xF7A  }
0x26: {  	[smem:$0x3F9F] =	sst s1;
	(tag) =	ssettag s2;
	_ =	strace s9  }
0x27: {  	s1 =	sld [smem:$0x3FAF]  }
0x28: {  	s2 =	sld [smem:$0x3FB0]  }
0x29: {  	s4 =	sld [smem:$0x3FB2]  }
0x2a: {  	p0 =	seq.s32 s5, $0x0;
	s5 =	sld [smem:$0x3FB3]  }
0x2b: {  	s6 =	sld [smem:$0x3FB4]  }
0x2c: {  	s7 =	sld [smem:$0x3FB5]  }
0x2d: {  	s3 =	simm.s32 $0x108;
	s8 =	sld [smem:$0x3FB6]  }
0x2e: {  	s3 =	simm.s32 @!p0 $0x1082;
	s9 =	sld [smem:$0x3FB7]  }
0x2f: {  	lr =	sadd.s32 s0, s3;
	s0 =	sld [smem:$0x3FAE]  }
0x30: {  	s3 =	sld [smem:$0x3FB1]  }
0x31: {  	[smem:$0x3FBA] =	sst s10  }
0x32: {  	s10 =	sld [smem:$0x3FB8];
	_ =	sdelay $0x3  }
0x33: {  	p0 =	seq.s32 s10, $0x1;
	s10 =	sld [smem:$0x3FBA];
	_ =	sdelay $0x3  }
0x34: {  	[smem:$0x3FBA] =	sst s10  }
0x35: {  	s10 =	sld [smem:$0x3FB9];
	_ =	sdelay $0x3  }
0x36: {  	p1 =	seq.s32 s10, $0x1;
	s10 =	sld [smem:$0x3FBA];
	_ =	sdelay $0x3  }
0x37: {  	[smem:$0x3FBA] =	sst s10  }
0x38: {  	s10 =	sld [smem:$0x3FBB]  }
0x39: {  	_ = 	snop;
	(pc) =	sbr.ind lr, $3  }
0x3a: {  	_ = 	snop  }
0x3b: {  	_ = 	snop  }
0x3c: {  	p2 =	seq.s32 s10, $0x1;
	s10 =	sld [smem:$0x3FBA]  }
0x3d: {  	_ =	shalt  }
0x3e: {  	_ =	shalt  }
0x3f: {  	_ =	shalt  }
0x40: {  	_ =	shalt  }
0x41: {  	_ =	shalt  }
0x42: {  	_ =	shalt  }
0x43: {  	_ =	shalt  }
0x44: {  	_ =	shalt  }
0x45: {  	_ =	shalt  }
0x46: {  	_ =	shalt  }
0x47: {  	_ =	shalt  }
0x48: {  	_ =	shalt  }
0x49: {  	_ =	shalt  }
0x4a: {  	_ =	shalt  }
0x4b: {  	_ =	shalt  }
0x4c: {  	_ =	shalt  }
0x4d: {  	_ =	shalt  }
0x4e: {  	_ =	shalt  }
0x4f: {  	_ =	shalt  }
0x50: {  	_ =	shalt  }
0x51: {  	_ =	shalt  }
0x52: {  	_ =	shalt  }
0x53: {  	_ =	shalt  }
0x54: {  	_ =	shalt  }
0x55: {  	_ =	shalt  }
0x56: {  	_ =	shalt  }
0x57: {  	_ =	shalt  }
0x58: {  	_ =	shalt  }
0x59: {  	_ =	shalt  }
0x5a: {  	_ =	shalt  }
0x5b: {  	_ =	shalt  }
0x5c: {  	_ =	shalt  }
0x5d: {  	_ =	shalt  }
0x5e: {  	_ =	shalt  }
0x5f: {  	_ =	shalt  }
0x60: {  	_ =	shalt  }
0x61: {  	_ =	shalt  }
0x62: {  	_ =	shalt  }
0x63: {  	_ =	shalt  }
0x64: {  	_ =	shalt  }
0x65: {  	_ =	shalt  }
0x66: {  	_ =	shalt  }
0x67: {  	_ =	shalt  }
0x68: {  	_ =	shalt  }
0x69: {  	_ =	shalt  }
0x6a: {  	_ =	shalt  }
0x6b: {  	_ =	shalt  }
0x6c: {  	_ =	shalt  }
0x6d: {  	_ =	shalt  }
0x6e: {  	_ =	shalt  }
0x6f: {  	_ =	shalt  }
0x70: {  	_ =	shalt  }
0x71: {  	_ =	shalt  }
0x72: {  	_ =	shalt  }
0x73: {  	_ =	shalt  }
0x74: {  	_ =	shalt  }
0x75: {  	_ =	shalt  }
0x76: {  	_ =	shalt  }
0x77: {  	_ =	shalt  }
0x78: {  	_ =	shalt  }
0x79: {  	_ =	shalt  }
0x7a: {  	_ =	shalt  }
0x7b: {  	_ =	shalt  }
0x7c: {  	_ =	shalt  }
0x7d: {  	_ =	shalt  }
0x7e: {  	_ =	shalt  }
0x7f: {  	_ =	shalt  }
0x80: {  	_ =	shalt  }
0x81: {  	_ =	shalt  }
0x82: {  	_ =	shalt  }
0x83: {  	_ =	shalt  }
0x84: {  	_ =	shalt  }
0x85: {  	_ =	shalt  }
0x86: {  	_ =	shalt  }
0x87: {  	_ =	shalt  }
.Lfunc_end0:
.L_simem_size_0:
called_computation_lowered:
.L_overlay_start_0:
0x88: {  	s2 =	sld [smem:$0x3FD9]  }
0x89: {  	s3 =	sld [smem:$0x3FFE];
	_ =	sdelay $0x1  }
0x8a: {  	s1 =	srdreg.scid  }
0x8b: {  	s0 =	sand.u32 $0x1, s1  }
0x8c: {  	s17 =	sshll.u32 s0, $0xA;
	s2 =	sadd.s32 s3, s2  }
0x8d: {  	s2 =	sadd.s32 s2, s17  }
0x8e: {  	[smem:$0x3FC6] =	sst s2  }
0x8f: {  	_ = 	snop  }
0x90: {  	s2 =	sld [smem:$0x3FC9]  }
0x91: {  	s18 =	sld [smem:$0x3FC8]  }
0x92: {  	s4 =	sld [smem:$0x3FD0];
	(tm) =	ssettm $0x1  }
0x93: {  	s5 =	sld [smem:$0x3FFB];
	_ =	sdelay $0x3  }
0x94: {  	_ =	strace s5  }
0x95: {  	s5 =	sld [smem:$0x3FFC];
	_ =	sdelay $0x3  }
0x96: {  	_ =	strace s5  }
0x97: {  	s5 =	sld [smem:$0x3FFD];
	_ =	sdelay $0x3  }
0x98: {  	_ =	strace s5  }
0x99: {  	_ =	strace $0x8FFFFFFF  }
0x9a: {  	s19 =	sld [smem:$0x3FDB];
	_ =	sdelay $0x1  }
0x9b: {  	s6 =	simm.s32 $_scs_section_size  }
0x9c: {  	s7 =	simm.s32 $_size__tile_overlayer_lowered;
	s8 =	simm.s32 $_tile_overlayer_lowered  }
0x9d: {  	s22 =	simm.s32 $0x1BFF;
	s21 =	sshll.u32 s8, $0x1;
	s5 =	sadd.s32 s6, s19  }
0x9e: {  	s9 =	simm.s32 $0x0;
	s20 =	sshll.u32 s7, $0x1;
	s7 =	sadd.s32 s21, s5  }
0x9f: {  	[timem:s9], [sflag:s22] =	dma.local [hbm:s7], s20  }
0xa0: {  	_ =	swait.ge [sflag:s22], s20  }
0xa1: {  	s6 =	ssub.s32 $0x0, s20;
	[sflag:s22] =	ssyncset.done $0x0  }
0xa2: {  	[sflag:s22] =	ssyncadd.s32 s6;
	_ =	sdelay $0x1  }
0xa3: {  	s23 =	simm.s32 $0x1B8B  }
0xa4: {  	_ =	swait.ge [sflag:s23], $0x1  }
0xa5: {  	[sflag:s23] =	ssyncset.done $0x0  }
0xa6: {  	s25 =	simm.s32 $0x1B8E;
	s24 =	sld [smem:$0x3FFE];
	[sflag:s23] =	ssyncadd.s32 $0xFFFFFFFF  }
0xa7: {  	s26 =	simm.s32 $execute0_lowered;
	[smem:$0x3FD2] =	sst s25  }
0xa8: {  	s7 =	sshll.u32 s26, $0x1;
	_ =	strace $0x80000046;
	[dreg:$0x1] =	wrdreg $0xFFFFFFFF  }
0xa9: {  	s28 =	simm.s32 $_size_execute0_lowered;
	s5 =	sadd.s32 s5, s7;
	[dreg:$0x0] =	wrdreg $0x0  }
0xaa: {  	s7 =	sshll.u32 s28, $0x1;
	[dreg:$0x2] =	wrdreg s5  }
0xab: {  	[dreg:$0x3] =	wrdreg s7  }
0xac: {  	[dreg:$0x4] =	wrdreg $0xC0  }
0xad: {  	_ =	task [dreg:s9], $0x5FFFF  }
0xae: {  	[dreg:$0x1] =	wrdreg $0xFFFFFFFF  }
0xaf: {  	[dreg:$0x0] =	wrdreg $0x60  }
0xb0: {  	[dreg:$0x2] =	wrdreg s2  }
0xb1: {  	[dreg:$0x3] =	wrdreg s18  }
0xb2: {  	[dreg:$0x4] =	wrdreg s24  }
0xb3: {  	[dreg:$0x5] =	wrdreg s4  }
0xb4: {  	[dreg:$0x6] =	wrdreg $0x9  }
0xb5: {  	_ =	task.clear_ibuf [dreg:s9], $0x7FFFF;
	_ =	strace $0x90000046  }
0xb6: {  	s29 =	simm.s32 $0x9;
	_ =	strace $0x80000048  }
0xb7: {  	_ =	swait.ge [sflag:s29], $0x1  }
0xb8: {  	[sflag:s29] =	ssyncadd.s32 $0xFFFFFFFF  }
0xb9: {  	_ =	strace $0x90000048  }
0xba: {  	_ =	sfence  }
0xbb: {  	s30 =	sld [smem:$0x0];
	_ =	sdelay $0x2  }
0xbc: {  	s31 =	sshll.u32 s1, $0xD;
	s1 =	sshrl.u32 s1, $0x2  }
0xbd: {  	s3 =	sand.u32 $0x4000, s31;
	s1 =	sadd.s32 s1, s30  }
0xbe: {  	s0 =	sor.u32 s3, s0;
	s1 =	sshll.u32 s1, $0x11  }
0xbf: {  	s0 =	sor.u32 s1, s0  }
0xc0: {  	s0 =	sadd.s32 $0x8F2B, s0  }
0xc1: {  	[sflag:s0] =	ssyncadd.remote.s32 $0x1  }
0xc2: {  	_ =	sfence.sel $0xFFFF  }
0xc3: {  	[dreg:$0x0] =	wrdreg $0xFFFFFFFF;
	(pc) =	sbr.abs _section_cstart, $3  }
0xc4: {  	[dreg:$0x1] =	wrdreg $0xFFFFFFFF  }
0xc5: {  	_ =	task.clear_ibuf [dreg:s9], $0x2FFFF;
	_ =	strace $0x9FFFFFFF  }
0xc6: {  	(tm) =	ssettm $0x7FFFFFFF  }
0xc7: {  	_ =	shalt  }
tec
execute0_lowered:
.L_overlay_start_1:
0x0: {  	(tag) =	ssettag $0x1  }
0x1: {  	v0 =	vimm.s32 $0x1380;
	vm14 =	vcmask $0x300  }
0x2: {  	vm13 =	vcmask $0x704;
	vm12 =	vcmask $0xB08;
	vm11 =	vcmask $0xF0C  }
0x3: {  	vm10 =	vcmask $0x1310;
	vm9 =	vcmask $0x1714;
	vm8 =	vcmask $0x1B18  }
0x4: {  	vm7 =	vcmask $0x1F1C;
	vm6 =	vcmask $0x2320;
	vm5 =	vcmask $0x2724  }
0x5: {  	vm4 =	vcmask $0x2B28;
	vm3 =	vcmask $0x2F2C;
	vm2 =	vcmask $0x3330  }
0x6: {  	vm1 =	vcmask $0x3734;
	vm0 =	vcmask $0x3B38;
	v3 =	vimm.s32 $0x0  }
0x7: {  	v5 =	vimm.s32 $0x3380;
	v6 =	vimm.s32 $0x5380;
	v7 =	vimm.s32 $0x7380  }
0x8: {  	v0 =	vsel vm14, $0x0, v0;
	v5 =	vsel vm14, $0x2000, v5;
	v6 =	vsel vm14, $0x4000, v6  }
0x9: {  	v7 =	vsel vm14, $0x6000, v7;
	v0 =	vsel vm13, $0x80, v0;
	v5 =	vsel vm13, $0x2080, v5  }
0xa: {  	v6 =	vsel vm13, $0x4080, v6;
	v7 =	vsel vm13, $0x6080, v7;
	v0 =	vsel vm12, $0x100, v0  }
0xb: {  	s9 =	rddreg [dreg:$0x1];
	v5 =	vsel vm12, $0x2100, v5;
	v6 =	vsel vm12, $0x4100, v6;
	v7 =	vsel vm12, $0x6100, v7  }
0xc: {  	s0 =	srdreg.scid;
	s23 =	rddreg [dreg:$0x2];
	v0 =	vsel vm11, $0x180, v0;
	v5 =	vsel vm11, $0x2180, v5;
	v6 =	vsel vm11, $0x4180, v6  }
0xd: {  	s4 =	stileid.u32;
	s6 =	rddreg [dreg:$0x3];
	v7 =	vsel vm11, $0x6180, v7;
	v0 =	vsel vm10, $0x200, v0;
	v5 =	vsel vm10, $0x2200, v5  }
0xe: {  	s7 =	simm.s32 $0x0;
	s20 =	simm.s32 $0x1000;
	s22 =	simm.s32 $0x5000;
	v6 =	vsel vm10, $0x4200, v6;
	v7 =	vsel vm10, $0x6200, v7;
	v0 =	vsel vm9, $0x280, v0  }
0xf: {  	s28 =	simm.s32 $0x4000;
	s29 =	simm.s32 $0x2;
	s0 =	sand.u32 $0x1, s0;
	v5 =	vsel vm9, $0x2280, v5;
	v6 =	vsel vm9, $0x4280, v6;
	v7 =	vsel vm9, $0x6280, v7  }
0x10: {  	s1 =	sshll.u32 s4, $0x1;
	p0 =	slt.u32 s4, $0x2;
	[smem:$0x7FF] =	sst s7;
	v0 =	vsel vm8, $0x300, v0;
	v5 =	vsel vm8, $0x2300, v5;
	v6 =	vsel vm8, $0x4300, v6  }
0x11: {  	s10 =	sadd.s32 $0x400, s23;
	s11 =	sadd.s32 $0x18600, s9;
	s30 =	sadd.s32 $0x480, s23;
	v7 =	vsel vm8, $0x6300, v7;
	v0 =	vsel vm7, $0x380, v0;
	v5 =	vsel vm7, $0x2380, v5  }
0x12: {  	s31 =	sadd.s32 $0x500, s23;
	s15 =	sadd.s32 $0x580, s23;
	s16 =	sadd.s32 $0x600, s23;
	v6 =	vsel vm7, $0x4380, v6;
	v7 =	vsel vm7, $0x6380, v7;
	v0 =	vsel vm6, $0x1000, v0  }
0x13: {  	s17 =	sadd.s32 $0x680, s23;
	s18 =	sadd.s32 $0x700, s23;
	s2 =	sor.u32 s0, s1;
	v5 =	vsel vm6, $0x3000, v5;
	v6 =	vsel vm6, $0x5000, v6;
	v7 =	vsel vm6, $0x7000, v7  }
0x14: {  	s19 =	sadd.s32 $0x780, s23;
	s1 =	simm.s32 $0x7;
	s3 =	smul.u32 $0x6, s2;
	v0 =	vsel vm5, $0x1080, v0;
	v5 =	vsel vm5, $0x3080, v5;
	v6 =	vsel vm5, $0x5080, v6  }
0x15: {  	s0 =	ssub.s32 $0x2, s0;
	_ =	strace $0x80000047;
	s2 =	smin.u32 s2, $0x4;
	v7 =	vsel vm5, $0x7080, v7;
	v0 =	vsel vm4, $0x1100, v0;
	v5 =	vsel vm4, $0x3100, v5  }
0x16: {  	[dreg:$0x5] =	wrdreg s10;
	s1 =	simm.s32 @!p0 $0x6;
	s2 =	sadd.s32 s2, s3;
	v6 =	vsel vm4, $0x5100, v6;
	v7 =	vsel vm4, $0x7100, v7;
	v1 =	vsel vm3, $0x1180, v0  }
0x17: {  	[dreg:$0x9] =	wrdreg s30;
	s5 =	sshrl.u32 s0, $0x1;
	s3 =	sadd.s32 s1, s2;
	v0 =	vmov s2;
	v5 =	vsel vm3, $0x3180, v5;
	v6 =	vsel vm3, $0x5180, v6  }
.Ltmp0:
0x18: {  	s0 =	ssub.s32 s0, s5;
	s24 =	sshll.u32 s2, $0x9;
	v7 =	vsel vm3, $0x7180, v7;
	v2 =	vsel vm2, $0x1200, v1;
	v1 =	vmov s3;
	(pc) =	sbr.rel .LBB2_1-.Ltmp0, $4  }
0x19: {  	[dreg:$0xa] =	wrdreg s31;
	s0 =	smax.u32 s0, $0x1;
	s8 =	sadd.s32 $0x200, s24;
	v5 =	vsel vm2, $0x3200, v5;
	v6 =	vsel vm2, $0x5200, v6;
	v7 =	vsel vm2, $0x7200, v7  }
0x1a: {  	[dreg:$0x8] =	wrdreg s0;
	s4 =	sadd.s32 s9, s24;
	s25 =	sand.u32 $0x1FFFFE00, s8;
	v4 =	vsel vm1, $0x1280, v2;
	v2 =	vlaneseq.u32;
	v5 =	vsel vm1, $0x3280, v5  }
0x1b: {  	[dreg:$0x6] =	wrdreg s4;
	s26 =	sadd.s32 s9, s25;
	s25 =	simm.s32 $0x2000;
	v6 =	vsel vm1, $0x5280, v6;
	v7 =	vsel vm1, $0x7280, v7;
	v4 =	vsel vm0, $0x1300, v4  }
0x1c: {  	[dreg:$0x7] =	wrdreg s26;
	s26 =	simm.s32 $0x3000;
	s3 =	simm.s32 $0x0;
	v5 =	vsel vm0, $0x3300, v5;
	v6 =	vsel vm0, $0x5300, v6;
	v7 =	vsel vm0, $0x7300, v7  }
.LBB2_23:
0x1d: {  	[sflag:s29] =	ssyncadd.s32 $0xFFFFFFC0  }
.LBB2_24:
0x1e: {  	s3 =	sadd.s32 $0x1, s3;
	s0 =	rddreg [dreg:$0x8]  }
0x1f: {  	p0 =	sne.s32 s3, s0  }
.Ltmp1:
0x20: {  	_ = 	snop;
	(pc) =	sbr.rel @!p0 .LBB2_25-.Ltmp1, $1  }
0x21: {  	_ =	sdelay $0x3  }
.LBB2_1:
0x22: {  	[dreg:$0xb] =	wrdreg s3  }
0x23: {  	s0 =	rddreg [dreg:$0x6];
	s8 =	simm.s32 $0xC3800  }
0x24: {  	[tilespmem:s22], [sflag:$0x1] =	stream.strided.gather [hbm4b:s0+s20], $0x8000, s8, s20, $0x38;
	[tilespmem:$0x1D400] =	vst v63  }
0x25: {  	s9 =	rddreg [dreg:$0x7];
	s4 =	simm.s32 $0xD000  }
0x26: {  	[tilespmem:s4], [sflag:$0x1] =	stream.strided.gather [hbm4b:s9+s20], $0x8000, s8, s20, $0x38;
	[tilespmem:$0x1D400] =	vst v63  }
0x27: {  	s10 =	rddreg [dreg:$0x0];
	s12 =	simm.s32 $0x3  }
0x28: {  	[tilespmem:s7], [sflag:$0x3] =	stream.linear.gather [hbm4b:s10+s7], $0x1000, $0x38;
	[tilespmem:$0x1D400] =	vst v63  }
0x29: {  	_ =	swait.ge [sflag:s12], $0x1000  }
0x2a: {  	[sflag:s12] =	ssyncset.done $0x0  }
0x2b: {  	s13 =	simm.s32 $0x20;
	[sflag:s12] =	ssyncadd.s32 $0xFFFFF000  }
0x2c: {  	v8 =	vld [tilespmem:s13+$0xFFFFFFE0];
	_ =	sdelay $0x4  }
0x2d: {  	v9 =	vshrl.u32 v8, $0x9  }
0x2e: {  	vm0 =	vge.u32 v9, v0;
	vm1 =	vlt.u32 v9, v1  }
0x2f: {  	vm0 =	vmand vm0, vm1  }
0x30: {  	v10 =	vsel vm0, $0x1, v3  }
0x31: {  	(xrf0) =	vadd.scan.msk.s32 $0xffff, v10;
	_ =	sdelay $0x4  }
0x32: {  	v10 =	vsel vm0, $0xFFFFFFFF, v3  }
0x33: {  	v10 =	vadd.s32 s7, v10;
	v11, _, _ =	vpop (xrf0)  }
0x34: {  	v10 =	vadd.s32 v11, v10;
	_ =	sdelay $0x3  }
0x35: {  	v12 =	vor.u32 s7, v2  }
0x36: {  	[tilespmem:v10+s20+$0x0] =	vst.idx.msk vm0, v12  }
0x37: {  	v8 =	vand.u32 $0x1FF, v8;
	[tilespmem:v10+s25+$0x0] =	vst.idx.msk vm0, v9  }
0x38: {  	[tilespmem:v10+s26+$0x0] =	vst.idx.msk vm0, v8  }
0x39: {  	(v2sf) =	vpush v11, $0xF;
	v8 =	vld [tilespmem:s13+$0xFFFFFFF0];
	_ =	sdelay $0x4  }
0x3a: {  	v9 =	vshrl.u32 v8, $0x9  }
0x3b: {  	vm0 =	vge.u32 v9, v0;
	vm1 =	vlt.u32 v9, v1  }
0x3c: {  	vm0 =	vmand vm0, vm1  }
0x3d: {  	v10 =	vsel vm0, $0x1, v3  }
0x3e: {  	(xrf0) =	vadd.scan.msk.s32 $0xffff, v10;
	_ =	sdelay $0x5  }
0x3f: {  	s14 =	spop (v2sf);
	v10 =	vsel vm0, $0xFFFFFFFF, v3;
	v11, _, _ =	vpop (xrf0)  }
0x40: {  	s3 =	sadd.s32 $0x0, s14;
	v10 =	vadd.s32 v10, v11  }
0x41: {  	v10 =	vadd.s32 s3, v10;
	_ =	sdelay $0x2  }
0x42: {  	s21 =	simm.s32 $0x10  }
0x43: {  	v62 =	vor.u32 s21, v2  }
0x44: {  	[tilespmem:v10+s20+$0x0] =	vst.idx.msk vm0, v62  }
0x45: {  	v8 =	vand.u32 $0x1FF, v8;
	[tilespmem:v10+s25+$0x0] =	vst.idx.msk vm0, v9  }
0x46: {  	[tilespmem:v10+s26+$0x0] =	vst.idx.msk vm0, v8  }
0x47: {  	(v2sf) =	vpush v11, $0xF;
	v8 =	vld [tilespmem:s13+$0x0];
	_ =	sdelay $0x4  }
0x48: {  	v9 =	vshrl.u32 v8, $0x9  }
0x49: {  	vm0 =	vge.u32 v9, v0;
	vm1 =	vlt.u32 v9, v1  }
0x4a: {  	vm0 =	vmand vm0, vm1  }
0x4b: {  	v10 =	vsel vm0, $0x1, v3  }
0x4c: {  	(xrf0) =	vadd.scan.msk.s32 $0xffff, v10;
	_ =	sdelay $0x5  }
0x4d: {  	s23 =	spop (v2sf);
	v10 =	vsel vm0, $0xFFFFFFFF, v3;
	v11, _, _ =	vpop (xrf0)  }
0x4e: {  	s3 =	sadd.s32 s3, s23;
	v10 =	vadd.s32 v10, v11  }
0x4f: {  	v10 =	vadd.s32 s3, v10;
	_ =	sdelay $0x2  }
0x50: {  	s24 =	simm.s32 $0x20  }
0x51: {  	v63 =	vor.u32 s24, v2  }
0x52: {  	[tilespmem:v10+s20+$0x0] =	vst.idx.msk vm0, v63  }
0x53: {  	v8 =	vand.u32 $0x1FF, v8;
	[tilespmem:v10+s25+$0x0] =	vst.idx.msk vm0, v9  }
0x54: {  	[tilespmem:v10+s26+$0x0] =	vst.idx.msk vm0, v8  }
0x55: {  	(v2sf) =	vpush v11, $0xF;
	v8 =	vld [tilespmem:s13+$0x10];
	_ =	sdelay $0x4  }
0x56: {  	v9 =	vshrl.u32 v8, $0x9  }
0x57: {  	vm0 =	vge.u32 v9, v0;
	vm1 =	vlt.u32 v9, v1  }
0x58: {  	vm0 =	vmand vm0, vm1  }
0x59: {  	v10 =	vsel vm0, $0x1, v3  }
0x5a: {  	(xrf0) =	vadd.scan.msk.s32 $0xffff, v10;
	_ =	sdelay $0x5  }
0x5b: {  	s30 =	spop (v2sf);
	v10 =	vsel vm0, $0xFFFFFFFF, v3;
	v11, _, _ =	vpop (xrf0)  }
0x5c: {  	s4 =	sadd.s32 s3, s30;
	v10 =	vadd.s32 v10, v11;
	(v2sf) =	vpush v11, $0xF  }
0x5d: {  	v10 =	vadd.s32 s4, v10;
	_ =	sdelay $0x2  }
0x5e: {  	s31 =	simm.s32 $0x30  }
0x5f: {  	v11 =	vor.u32 s31, v2  }
0x60: {  	[tilespmem:v10+s20+$0x0] =	vst.idx.msk vm0, v11  }
0x61: {  	v8 =	vand.u32 $0x1FF, v8;
	[tilespmem:v10+s25+$0x0] =	vst.idx.msk vm0, v9  }
0x62: {  	s0 =	simm.s32 $0x60;
	[tilespmem:v10+s26+$0x0] =	vst.idx.msk vm0, v8  }
0x63: {  	v8 =	vld [tilespmem:s0+$0xFFFFFFE0];
	_ =	sdelay $0x4  }
0x64: {  	v9 =	vshrl.u32 v8, $0x9  }
0x65: {  	s5 =	simm.s32 $0x4;
	s3 =	simm.s32 $0x0;
	vm0 =	vge.u32 v9, v0;
	vm1 =	vlt.u32 v9, v1;
	s8 =	spop (v2sf)  }
.LBB2_2:
0x66: {  	s5 =	sadd.s32 $0x4, s5;
	vm0 =	vmand vm0, vm1;
	s4 =	sadd.s32 s4, s8;
	s3 =	sadd.s32 $0x40, s3  }
0x67: {  	p0 =	slt.u32 s5, $0xFC;
	v10 =	vsel vm0, $0xFFFFFFFF, v3;
	v11 =	vsel vm0, $0x1, v3  }
0x68: {  	(xrf0) =	vadd.scan.msk.s32 $0xffff, v11;
	_ =	sdelay $0x5  }
0x69: {  	v10 =	vadd.s32 s4, v10;
	v11, _, _ =	vpop (xrf0)  }
0x6a: {  	v10 =	vadd.s32 v11, v10;
	(v2sf) =	vpush v11, $0xF;
	_ =	sdelay $0x3  }
0x6b: {  	v11 =	vor.u32 s3, v2  }
0x6c: {  	[tilespmem:v10+s20+$0x0] =	vst.idx.msk vm0, v11  }
0x6d: {  	v8 =	vand.u32 $0x1FF, v8;
	[tilespmem:v10+s25+$0x0] =	vst.idx.msk vm0, v9  }
0x6e: {  	[tilespmem:v10+s26+$0x0] =	vst.idx.msk vm0, v8  }
0x6f: {  	v8 =	vld [tilespmem:s0+$0xFFFFFFF0];
	_ =	sdelay $0x4  }
0x70: {  	v9 =	vshrl.u32 v8, $0x9  }
0x71: {  	vm0 =	vge.u32 v9, v0;
	vm1 =	vlt.u32 v9, v1  }
0x72: {  	vm0 =	vmand vm0, vm1;
	s8 =	spop (v2sf)  }
0x73: {  	v10 =	vsel vm0, $0x1, v3  }
0x74: {  	(xrf0) =	vadd.scan.msk.s32 $0xffff, v10;
	_ =	sdelay $0x5  }
0x75: {  	v10 =	vsel vm0, $0xFFFFFFFF, v3;
	v11, _, _ =	vpop (xrf0)  }
0x76: {  	s4 =	sadd.s32 s4, s8;
	v10 =	vadd.s32 v10, v11;
	(v2sf) =	vpush v11, $0xF  }
0x77: {  	v10 =	vadd.s32 s4, v10;
	_ =	sdelay $0x2  }
0x78: {  	s8 =	sadd.s32 $0x10, s3  }
0x79: {  	v11 =	vor.u32 s8, v2  }
0x7a: {  	[tilespmem:v10+s20+$0x0] =	vst.idx.msk vm0, v11  }
0x7b: {  	v8 =	vand.u32 $0x1FF, v8;
	[tilespmem:v10+s25+$0x0] =	vst.idx.msk vm0, v9  }
0x7c: {  	[tilespmem:v10+s26+$0x0] =	vst.idx.msk vm0, v8  }
0x7d: {  	v8 =	vld [tilespmem:s0+$0x0];
	_ =	sdelay $0x4  }
0x7e: {  	v9 =	vshrl.u32 v8, $0x9  }
0x7f: {  	vm0 =	vge.u32 v9, v0;
	vm1 =	vlt.u32 v9, v1;
	s8 =	spop (v2sf)  }
0x80: {  	s4 =	sadd.s32 s4, s8;
	vm0 =	vmand vm0, vm1  }
0x81: {  	v10 =	vsel vm0, $0x1, v3  }
0x82: {  	(xrf0) =	vadd.scan.msk.s32 $0xffff, v10;
	_ =	sdelay $0x5  }
0x83: {  	v10 =	vsel vm0, $0xFFFFFFFF, v3;
	v11, _, _ =	vpop (xrf0)  }
0x84: {  	v10 =	vadd.s32 v10, v11;
	(v2sf) =	vpush v11, $0xF  }
0x85: {  	v10 =	vadd.s32 s4, v10;
	_ =	sdelay $0x2  }
0x86: {  	s8 =	sadd.s32 $0x20, s3  }
0x87: {  	v11 =	vor.u32 s8, v2  }
0x88: {  	[tilespmem:v10+s20+$0x0] =	vst.idx.msk vm0, v11  }
0x89: {  	v8 =	vand.u32 $0x1FF, v8;
	[tilespmem:v10+s25+$0x0] =	vst.idx.msk vm0, v9  }
0x8a: {  	[tilespmem:v10+s26+$0x0] =	vst.idx.msk vm0, v8  }
0x8b: {  	v8 =	vld [tilespmem:s0+$0x10];
	_ =	sdelay $0x4  }
0x8c: {  	v9 =	vshrl.u32 v8, $0x9  }
0x8d: {  	vm0 =	vge.u32 v9, v0;
	vm1 =	vlt.u32 v9, v1;
	s8 =	spop (v2sf)  }
0x8e: {  	vm0 =	vmand vm0, vm1  }
0x8f: {  	v10 =	vsel vm0, $0x1, v3  }
0x90: {  	(xrf0) =	vadd.scan.msk.s32 $0xffff, v10;
	_ =	sdelay $0x5  }
0x91: {  	v10 =	vsel vm0, $0xFFFFFFFF, v3;
	v11, _, _ =	vpop (xrf0)  }
0x92: {  	s4 =	sadd.s32 s4, s8;
	v10 =	vadd.s32 v10, v11;
	(v2sf) =	vpush v11, $0xF  }
0x93: {  	v10 =	vadd.s32 s4, v10;
	_ =	sdelay $0x2  }
0x94: {  	s8 =	sadd.s32 $0x30, s3  }
0x95: {  	v11 =	vor.u32 s8, v2  }
0x96: {  	[tilespmem:v10+s20+$0x0] =	vst.idx.msk vm0, v11  }
0x97: {  	v8 =	vand.u32 $0x1FF, v8;
	[tilespmem:v10+s25+$0x0] =	vst.idx.msk vm0, v9  }
0x98: {  	s0 =	sadd.s32 $0x40, s0;
	[tilespmem:v10+s26+$0x0] =	vst.idx.msk vm0, v8  }
0x99: {  	v8 =	vld [tilespmem:s0+$0xFFFFFFE0];
	_ =	sdelay $0x1  }
.Ltmp2:
0x9a: {  	(pc) =	sbr.rel @p0 .LBB2_2-.Ltmp2, $3  }
0x9b: {  	_ =	sdelay $0x1  }
0x9c: {  	v9 =	vshrl.u32 v8, $0x9  }
0x9d: {  	vm0 =	vge.u32 v9, v0;
	vm1 =	vlt.u32 v9, v1;
	s8 =	spop (v2sf)  }
0x9e: {  	vm0 =	vmand vm0, vm1  }
0x9f: {  	v10 =	vsel vm0, $0x1, v3  }
0xa0: {  	(xrf0) =	vadd.scan.msk.s32 $0xffff, v10;
	_ =	sdelay $0x4  }
0xa1: {  	s4 =	sadd.s32 s4, s8;
	v10 =	vsel vm0, $0xFFFFFFFF, v3  }
0xa2: {  	v10 =	vadd.s32 s4, v10;
	v11, _, _ =	vpop (xrf0)  }
0xa3: {  	v10 =	vadd.s32 v11, v10;
	_ =	sdelay $0x2  }
0xa4: {  	s3 =	sadd.s32 $0x40, s3  }
0xa5: {  	v12 =	vor.u32 s3, v2  }
0xa6: {  	[tilespmem:v10+s20+$0x0] =	vst.idx.msk vm0, v12  }
0xa7: {  	v8 =	vand.u32 $0x1FF, v8;
	[tilespmem:v10+s25+$0x0] =	vst.idx.msk vm0, v9  }
0xa8: {  	[tilespmem:v10+s26+$0x0] =	vst.idx.msk vm0, v8  }
0xa9: {  	(v2sf) =	vpush v11, $0xF;
	v8 =	vld [tilespmem:s0+$0xFFFFFFF0];
	_ =	sdelay $0x4  }
0xaa: {  	v9 =	vshrl.u32 v8, $0x9  }
0xab: {  	vm10 =	vge.u32 v9, v0;
	vm11 =	vlt.u32 v9, v1  }
0xac: {  	vm0 =	vmand vm10, vm11  }
0xad: {  	v10 =	vsel vm0, $0x1, v3  }
0xae: {  	(xrf0) =	vadd.scan.msk.s32 $0xffff, v10;
	_ =	sdelay $0x5  }
0xaf: {  	s5 =	spop (v2sf);
	v10 =	vsel vm0, $0xFFFFFFFF, v3;
	v11, _, _ =	vpop (xrf0)  }
0xb0: {  	s4 =	sadd.s32 s4, s5;
	v10 =	vadd.s32 v10, v11  }
0xb1: {  	v10 =	vadd.s32 s4, v10;
	_ =	sdelay $0x2  }
0xb2: {  	s10 =	sadd.s32 $0x10, s3  }
0xb3: {  	v62 =	vor.u32 s10, v2  }
0xb4: {  	[tilespmem:v10+s20+$0x0] =	vst.idx.msk vm0, v62  }
0xb5: {  	v8 =	vand.u32 $0x1FF, v8;
	[tilespmem:v10+s25+$0x0] =	vst.idx.msk vm0, v9  }
0xb6: {  	[tilespmem:v10+s26+$0x0] =	vst.idx.msk vm0, v8  }
0xb7: {  	(v2sf) =	vpush v11, $0xF;
	v8 =	vld [tilespmem:s0+$0x0];
	_ =	sdelay $0x4  }
0xb8: {  	v9 =	vshrl.u32 v8, $0x9  }
0xb9: {  	vm12 =	vge.u32 v9, v0;
	vm13 =	vlt.u32 v9, v1  }
0xba: {  	vm0 =	vmand vm12, vm13  }
0xbb: {  	v10 =	vsel vm0, $0x1, v3  }
0xbc: {  	(xrf0) =	vadd.scan.msk.s32 $0xffff, v10;
	_ =	sdelay $0x5  }
0xbd: {  	s12 =	spop (v2sf);
	v10 =	vsel vm0, $0xFFFFFFFF, v3;
	v11, _, _ =	vpop (xrf0)  }
0xbe: {  	s4 =	sadd.s32 s4, s12;
	v10 =	vadd.s32 v10, v11  }
0xbf: {  	v10 =	vadd.s32 s4, v10;
	_ =	sdelay $0x2  }
0xc0: {  	s13 =	sadd.s32 $0x20, s3  }
0xc1: {  	v63 =	vor.u32 s13, v2  }
0xc2: {  	[tilespmem:v10+s20+$0x0] =	vst.idx.msk vm0, v63  }
0xc3: {  	v8 =	vand.u32 $0x1FF, v8;
	[tilespmem:v10+s25+$0x0] =	vst.idx.msk vm0, v9  }
0xc4: {  	[tilespmem:v10+s26+$0x0] =	vst.idx.msk vm0, v8  }
0xc5: {  	v8 =	vld [tilespmem:s0+$0x10];
	_ =	sdelay $0x4  }
0xc6: {  	v9 =	vshrl.u32 v8, $0x9  }
0xc7: {  	vm14 =	vge.u32 v9, v0;
	vm15 =	vlt.u32 v9, v1  }
0xc8: {  	vm0 =	vmand vm14, vm15  }
0xc9: {  	v10 =	vsel vm0, $0x1, v3  }
0xca: {  	(xrf0) =	vadd.scan.msk.s32 $0xffff, v10;
	_ =	sdelay $0x5  }
0xcb: {  	(v2sf) =	vpush v11, $0xF;
	v10, _, _ =	vpop (xrf0)  }
0xcc: {  	(v2sf) =	vpush v10, $0xF;
	_ =	sdelay $0xd  }
0xcd: {  	s14 =	spop (v2sf)  }
0xce: {  	s0 =	sadd.s32 s4, s14;
	v11 =	vsel vm0, $0xFFFFFFFF, v3;
	s21 =	spop (v2sf)  }
0xcf: {  	v10 =	vadd.s32 v11, v10;
	s4 =	sadd.s32 s0, s21  }
0xd0: {  	v10 =	vadd.s32 s0, v10;
	s23 =	sadd.s32 $0xF, s4  }
0xd1: {  	s3 =	sadd.s32 $0x30, s3;
	s24 =	sand.u32 $0xF, s23  }
0xd2: {  	s30 =	sshra.s32 s23, $0x1F;
	p1 =	slt.s32 s23, $0x1;
	p0 =	sne.s32 s24, $0x0  }
.Ltmp3:
0xd3: {  	s5 =	sshrl.u32 s30, $0x1C;
	p0 =	por !p1, !p0;
	(pc) =	sbr.rel .LBB2_4-.Ltmp3, $4  }
0xd4: {  	v11 =	vor.u32 s3, v2;
	s3 =	simm.s32 $0x1;
	s0 =	sadd.s32 s5, s23;
	p0 =	por !p0, !p0  }
0xd5: {  	[tilespmem:v10+s20+$0x0] =	vst.idx.msk vm0, v11;
	s0 =	sshra.s32 s0, $0x4;
	s3 =	simm.s32 @!p0 $0x0  }
0xd6: {  	s31 =	simm.s32 $0x0;
	v8 =	vand.u32 $0x1FF, v8;
	[tilespmem:v10+s25+$0x0] =	vst.idx.msk vm0, v9;
	s5 =	ssub.s32 s0, s3  }
0xd7: {  	[tilespmem:v10+s26+$0x0] =	vst.idx.msk vm0, v8;
	v8 =	vmov s4;
	s0 =	simm.s32 $0x0;
	s3 =	simm.s32 $0x0;
	p0 =	slt.s32 s5, $0x1  }
.LBB2_9:
0xd8: {  	s9 =	simm.s32 $0x1  }
.LBB2_18:
0xd9: {  	_ =	sdelay $0x1  }
0xda: {  	[hbm4b:s12+s7] =	stream.linear.scatter @p1 [tilespmem:s4], [sflag:$0x2], $0x40, $0x38;
	[tilespmem:$0x1D400] =	vst v63  }
0xdb: {  	s21 =	sadd.s32 s8, s0  }
0xdc: {  	v13 =	vld.idx.msk [tilespmem:v13+s28+$0x0], $0xffff;
	s8 =	sshra.s32 s21, $0x1F  }
0xdd: {  	s8 =	sshrl.u32 s8, $0x1C  }
0xde: {  	s8 =	sadd.s32 s8, s21  }
0xdf: {  	s8 =	sand.u32 $0xFFFFFFF0, s8  }
0xe0: {  	s8 =	ssub.s32 s21, s8  }
0xe1: {  	p2 =	sgt.s32 s21, $0xF;
	p6 =	seq.s32 s8, $0x0;
	v14 =	vand.u32 $0x7F, v13;
	v15 =	vshll.u32 v13, $0x3  }
0xe2: {  	p1 =	por !p2, !p6;
	v15 =	vand.u32 $0xC00, v15;
	v12 =	vor.u32 v12, v14  }
0xe3: {  	p1 =	por !p1, !p1;
	v12 =	vor.u32 v15, v12  }
0xe4: {  	(v2sf) =	vpush v13, $0x0;
	s4 =	simm.s32 @p1 $0x2  }
0xe5: {  	_ =	swait.ge @p1 [sflag:s4], $0x400  }
0xe6: {  	[sflag:s4] =	ssyncset.done @p1 $0x0  }
0xe7: {  	[sflag:s4] =	ssyncadd.s32 @p1 $0xFFFFFC00  }
0xe8: {  	v11 =	vor.u32 v11, v14;
	v12 =	vld.idx.msk [tilespmem:v12+s22+$0x0], $0xffff  }
0xe9: {  	v11 =	vor.u32 v15, v11;
	_ =	sdelay $0x1  }
0xea: {  	s23 =	sshll.u32 s8, $0x8  }
0xeb: {  	s4 =	sshra.s32 s23, $0x2  }
0xec: {  	[tilespmem:s4+$0x1D000] =	vst v12  }
0xed: {  	v10 =	vor.u32 v10, v14;
	v11 =	vld.idx.msk [tilespmem:v11+s22+$0x0], $0xffff  }
0xee: {  	v10 =	vor.u32 v15, v10;
	_ =	sdelay $0x3  }
0xef: {  	[tilespmem:s4+$0x1D010] =	vst v11  }
0xf0: {  	v9 =	vor.u32 v9, v14;
	v10 =	vld.idx.msk [tilespmem:v10+s22+$0x0], $0xffff  }
0xf1: {  	v9 =	vor.u32 v15, v9;
	_ =	sdelay $0x3  }
0xf2: {  	[tilespmem:s4+$0x1D020] =	vst v10  }
0xf3: {  	v9 =	vld.idx.msk [tilespmem:v9+s22+$0x0], $0xffff;
	_ =	sdelay $0x1  }
0xf4: {  	s24 =	spop (v2sf)  }
0xf5: {  	s8 =	sshra.s32 s24, $0x6  }
0xf6: {  	s8 =	sand.u32 $0x1FFFFFF8, s8  }
0xf7: {  	s10 =	sadd.s32 $0x1D000, s4;
	s30 =	sadd.s32 s6, s8;
	[tilespmem:s4+$0x1D030] =	vst v9;
	s4 =	sadd.s32 $0x10, s31  }
0xf8: {  	[hbm4b:s30+s7] =	stream.linear.scatter [tilespmem:s10], [sflag:$0x2], $0x40, $0x38;
	[tilespmem:$0x1D400] =	vst v63  }
0xf9: {  	s0 =	sadd.s32 s9, s0;
	s31 =	smov.u32 @p1 s4  }
.LBB2_19:
0xfa: {  	s3 =	sadd.s32 $0x1, s3  }
0xfb: {  	p1 =	sne.s32 s3, s1  }
.Ltmp4:
0xfc: {  	_ = 	snop;
	(pc) =	sbr.rel @!p1 .LBB2_20-.Ltmp4, $1  }
0xfd: {  	_ =	sdelay $0x3  }
.LBB2_4:
0xfe: {  	s4 =	sadd.s32 $0x2, s3  }
0xff: {  	p1 =	sge.u32 s4, s1  }
0x100: {  	s8 =	smulhi.u32 @!p1 $0xAAAAAAAB, s4;
	_ =	sdelay $0x1  }
0x101: {  	s8 =	sshrl.u32 @!p1 s8, $0x1  }
0x102: {  	s9 =	sadd.s32 @!p1 s2, s4;
	s8 =	smul.u32 @!p1 $0x3, s8  }
0x103: {  	p2 =	sne.s32 @!p1 s9, $0xC3  }
0x104: {  	p3 =	por !p2, p1;
	s4 =	ssub.s32 @!p1 s4, s8  }
0x105: {  	s10 =	rddreg [dreg:$0x1];
	s8 =	sshll.u32 @!p3 s9, $0x9;
	s4 =	sshll.u32 @!p1 s4, $0xF  }
0x106: {  	s12 =	simm.s32 @!p3 $0xC3800;
	s8 =	sand.u32 @!p3 $0x1FFFFE00, s8;
	s9 =	sor.u32 @!p1 $0x5000, s4  }
0x107: {  	s8 =	sadd.s32 @!p3 s10, s8;
	s10 =	simm.s32 @!p3 $0x1000;
	p1 =	por p2, p1  }
0x108: {  	[tilespmem:s9], [sflag:$0x1] =	stream.strided.gather @!p3 [hbm4b:s8+s10], $0x8000, s12, s10, $0x38;
	[tilespmem:$0x1D400] =	vst v63  }
0x109: {  	s8 =	simm.s32 @!p1 $0x0  }
0x10a: {  	[tilespmem:s9], [sflag:$0x1] =	stream.linear.gather @!p1 [hbm4b:s11+s8], $0x400, $0x38;
	[tilespmem:$0x1D400] =	vst v63  }
0x10b: {  	s10 =	sadd.s32 @!p1 $0x6000, s4;
	s9 =	sadd.s32 @!p1 $0x18700, s11  }
0x10c: {  	[tilespmem:s10], [sflag:$0x1] =	stream.linear.gather @!p1 [hbm4b:s9+s8], $0x400, $0x38;
	[tilespmem:$0x1D400] =	vst v63  }
0x10d: {  	s9 =	sadd.s32 @!p1 $0x30E00, s11;
	s10 =	sadd.s32 @!p1 $0x7000, s4  }
0x10e: {  	[tilespmem:s10], [sflag:$0x1] =	stream.linear.gather @!p1 [hbm4b:s9+s8], $0x400, $0x38;
	[tilespmem:$0x1D400] =	vst v63  }
0x10f: {  	s9 =	sadd.s32 @!p1 $0x49500, s11;
	s10 =	sadd.s32 @!p1 $0x8000, s4  }
0x110: {  	[tilespmem:s10], [sflag:$0x1] =	stream.linear.gather @!p1 [hbm4b:s9+s8], $0x400, $0x38;
	[tilespmem:$0x1D400] =	vst v63  }
0x111: {  	s9 =	sadd.s32 @!p1 $0x61C00, s11;
	s10 =	sadd.s32 @!p1 $0x9000, s4  }
0x112: {  	[tilespmem:s10], [sflag:$0x1] =	stream.linear.gather @!p1 [hbm4b:s9+s8], $0x400, $0x38;
	[tilespmem:$0x1D400] =	vst v63  }
0x113: {  	s9 =	sadd.s32 @!p1 $0x7A300, s11;
	s10 =	sadd.s32 @!p1 $0xA000, s4  }
0x114: {  	[tilespmem:s10], [sflag:$0x1] =	stream.linear.gather @!p1 [hbm4b:s9+s8], $0x400, $0x38;
	[tilespmem:$0x1D400] =	vst v63  }
0x115: {  	s9 =	sadd.s32 @!p1 $0x92A00, s11;
	s10 =	sadd.s32 @!p1 $0xB000, s4  }
0x116: {  	[tilespmem:s10], [sflag:$0x1] =	stream.linear.gather @!p1 [hbm4b:s9+s8], $0x400, $0x38;
	[tilespmem:$0x1D400] =	vst v63  }
0x117: {  	s9 =	sadd.s32 @!p1 $0xAB100, s11;
	s10 =	sadd.s32 @!p1 $0xC000, s4  }
0x118: {  	[tilespmem:s10], [sflag:$0x1] =	stream.linear.gather @!p1 [hbm4b:s9+s8], $0x400, $0x38;
	[tilespmem:$0x1D400] =	vst v63  }
0x119: {  	s9 =	sadd.s32 @!p1 $0x5400, s4;
	s10 =	rddreg [dreg:$0x5]  }
0x11a: {  	[tilespmem:s9], [sflag:$0x1] =	stream.linear.gather @!p1 [hbm4b:s10+s8], $0x400, $0x38;
	[tilespmem:$0x1D400] =	vst v63  }
0x11b: {  	s9 =	sadd.s32 @!p1 $0x6400, s4;
	s10 =	rddreg [dreg:$0x9]  }
0x11c: {  	[tilespmem:s9], [sflag:$0x1] =	stream.linear.gather @!p1 [hbm4b:s10+s8], $0x400, $0x38;
	[tilespmem:$0x1D400] =	vst v63  }
0x11d: {  	s9 =	sadd.s32 @!p1 $0x7400, s4;
	s10 =	rddreg [dreg:$0xa]  }
0x11e: {  	[tilespmem:s9], [sflag:$0x1] =	stream.linear.gather @!p1 [hbm4b:s10+s8], $0x400, $0x38;
	[tilespmem:$0x1D400] =	vst v63  }
0x11f: {  	s9 =	sadd.s32 @!p1 $0x8400, s4  }
0x120: {  	[tilespmem:s9], [sflag:$0x1] =	stream.linear.gather @!p1 [hbm4b:s15+s8], $0x400, $0x38;
	[tilespmem:$0x1D400] =	vst v63  }
0x121: {  	s9 =	sadd.s32 @!p1 $0x9400, s4  }
0x122: {  	[tilespmem:s9], [sflag:$0x1] =	stream.linear.gather @!p1 [hbm4b:s16+s8], $0x400, $0x38;
	[tilespmem:$0x1D400] =	vst v63  }
0x123: {  	s9 =	sadd.s32 @!p1 $0xA400, s4  }
0x124: {  	[tilespmem:s9], [sflag:$0x1] =	stream.linear.gather @!p1 [hbm4b:s17+s8], $0x400, $0x38;
	[tilespmem:$0x1D400] =	vst v63  }
0x125: {  	s9 =	sadd.s32 @!p1 $0xB400, s4  }
0x126: {  	[tilespmem:s9], [sflag:$0x1] =	stream.linear.gather @!p1 [hbm4b:s18+s8], $0x400, $0x38;
	[tilespmem:$0x1D400] =	vst v63  }
0x127: {  	s4 =	sadd.s32 @!p1 $0xC400, s4  }
0x128: {  	[tilespmem:s4], [sflag:$0x1] =	stream.linear.gather @!p1 [hbm4b:s19+s8], $0x400, $0x38;
	[tilespmem:$0x1D400] =	vst v63  }
0x129: {  	s4 =	sadd.s32 s2, s3  }
0x12a: {  	p1 =	sne.s32 s4, $0xC3  }
0x12b: {  	s8 =	simm.s32 @p1 $0x1  }
0x12c: {  	_ =	swait.ge @p1 [sflag:s8], $0x8000  }
.Ltmp5:
0x12d: {  	[sflag:s8] =	ssyncset.done @p1 $0x0;
	(pc) =	sbr.rel @p0 .LBB2_19-.Ltmp5, $4  }
0x12e: {  	[sflag:s8] =	ssyncadd.s32 @p1 $0xFFFF8000;
	s8 =	simm.s32 @!p1 $0x1  }
0x12f: {  	_ =	swait.ge @!p1 [sflag:s8], $0x4000  }
0x130: {  	[sflag:s8] =	ssyncset.done @!p1 $0x0  }
0x131: {  	[sflag:s8] =	ssyncadd.s32 @!p1 $0xFFFFC000  }
0x132: {  	s8 =	smulhi.u32 $0xAAAAAAAB, s3;
	p2 =	seq.s32 s5, $0x1  }
.Ltmp6:
0x133: {  	_ = 	snop;
	(pc) =	sbr.rel @p2 .LBB2_6-.Ltmp6, $4  }
0x134: {  	s8 =	sshrl.u32 s8, $0x1  }
0x135: {  	s30 =	simm.s32 $0x2000;
	s8 =	smul.u32 $0x3, s8  }
0x136: {  	s12 =	simm.s32 $0x1000;
	s23 =	simm.s32 $0x3000;
	s10 =	simm.s32 $0x0  }
0x137: {  	v9 =	vmov s4;
	s4 =	sadd.s32 $0xFFFFFFFF, s5;
	p1 =	por $0x0, $0x0;
	v10 =	vld [tilespmem:s30+$0x0];
	s9 =	ssub.s32 s3, s8  }
0x138: {  	_ =	sdelay $0x2  }
0x139: {  	v11 =	vor.u32 s10, v2  }
0x13a: {  	vm0 =	vlt.s32 v11, v8;
	vm1 =	veq.s32 v10, v9  }
0x13b: {  	vm0 =	vmand vm0, vm1  }
0x13c: {  	v10 =	vsel vm0, $0x1, v3  }
0x13d: {  	(xrf0) =	vadd.scan.msk.s32 $0xffff, v10;
	_ =	sdelay $0x4  }
0x13e: {  	v11 =	vld [tilespmem:s12+$0x0];
	v10 =	vsel vm0, $0xFFFFFFFF, v3  }
0x13f: {  	v12 =	vld [tilespmem:s23+$0x0];
	v10 =	vadd.s32 s10, v10;
	v13, _, _ =	vpop (xrf0)  }
0x140: {  	v10 =	vadd.s32 v13, v10;
	(v2sf) =	vpush v13, $0xF  }
0x141: {  	p2 =	seq.s32 s4, $0x1  }
.Ltmp7:
0x142: {  	_ = 	snop;
	(pc) =	sbr.rel @p2 .LBB2_11-.Ltmp7, $4  }
0x143: {  	v11 =	vshll.u32 v11, $0x9  }
0x144: {  	s8 =	simm.s32 $0x2010;
	v11 =	vor.u32 v12, v11  }
0x145: {  	s13 =	sadd.s32 $0xFFFFFFFF, s4;
	p1 =	por $0x1, $0x1;
	s4 =	simm.s32 $0x0;
	[tilespmem:v10+s28+$0x0] =	vst.idx.msk vm0, v11  }
0x146: {  	s21 =	simm.s32 $0x0;
	s24 =	simm.s32 $0x1000;
	s30 =	simm.s32 $0x3000;
	v10 =	vld [tilespmem:s8+$0x0]  }
.LBB2_12:
0x147: {  	p2 =	seq.s32 s13, $0x1;
	_ =	sdelay $0x1  }
0x148: {  	s4 =	sadd.s32 $0x10, s4  }
0x149: {  	v11 =	vor.u32 s4, v2  }
0x14a: {  	vm0 =	vlt.s32 v11, v8;
	vm1 =	veq.s32 v10, v9  }
0x14b: {  	vm0 =	vmand vm0, vm1  }
0x14c: {  	v10 =	vsel vm0, $0xFFFFFFFF, v3;
	v11 =	vsel vm0, $0x1, v3  }
0x14d: {  	(xrf0) =	vadd.scan.msk.s32 $0xffff, v11  }
0x14e: {  	s14 =	spop (v2sf)  }
0x14f: {  	s21 =	sadd.s32 s21, s14  }
0x150: {  	v10 =	vadd.s32 s21, v10  }
0x151: {  	s24 =	sadd.s32 $0x10, s24  }
0x152: {  	s30 =	sadd.s32 $0x10, s30;
	v11 =	vld [tilespmem:s24+$0x0]  }
0x153: {  	v12 =	vld [tilespmem:s30+$0x0];
	v13, _, _ =	vpop (xrf0)  }
0x154: {  	v10 =	vadd.s32 v13, v10;
	(v2sf) =	vpush v13, $0xF;
	_ =	sdelay $0x1  }
.Ltmp8:
0x155: {  	(pc) =	sbr.rel @!p2 .LBB2_12-.Ltmp8, $4  }
0x156: {  	v11 =	vshll.u32 v11, $0x9  }
0x157: {  	v11 =	vor.u32 v12, v11  }
0x158: {  	s8 =	sadd.s32 $0x10, s8;
	[tilespmem:v10+s28+$0x0] =	vst.idx.msk vm0, v11  }
0x159: {  	s13 =	sadd.s32 $0xFFFFFFFF, s13;
	v10 =	vld [tilespmem:s8+$0x0]  }
.LBB2_13:
0x15a: {  	_ = 	snop  }
0x15b: {  	s4 =	sadd.s32 @p1 $0x10, s4;
	s8 =	simm.s32 $0x0  }
0x15c: {  	s8 =	smov.u32 @p1 s4  }
0x15d: {  	v11 =	vor.u32 s8, v2  }
0x15e: {  	vm0 =	vlt.s32 v11, v8;
	vm1 =	veq.s32 v10, v9  }
0x15f: {  	vm0 =	vmand vm0, vm1  }
0x160: {  	v9 =	vsel vm0, $0x1, v3  }
0x161: {  	(xrf0) =	vadd.scan.msk.s32 $0xffff, v9;
	_ =	sdelay $0x5  }
0x162: {  	v9, _, _ =	vpop (xrf0)  }
0x163: {  	(v2sf) =	vpush v9, $0xF;
	_ =	sdelay $0x6  }
0x164: {  	s8 =	sadd.s32 @p1 $0x10, s24;
	s4 =	spop @p1 (v2sf)  }
0x165: {  	s12 =	smov.u32 @p1 s8;
	s8 =	sadd.s32 @p1 $0x10, s30;
	s4 =	sadd.s32 @p1 s21, s4  }
0x166: {  	v11 =	vld [tilespmem:s12+$0x0];
	s23 =	smov.u32 @p1 s8;
	v10 =	vsel vm0, $0xFFFFFFFF, v3;
	s10 =	smov.u32 @p1 s4  }
0x167: {  	v12 =	vld [tilespmem:s23+$0x0];
	v10 =	vadd.s32 s10, v10  }
0x168: {  	v9 =	vadd.s32 v9, v10;
	_ =	sdelay $0x2  }
0x169: {  	v10 =	vshll.u32 v11, $0x9  }
0x16a: {  	v10 =	vor.u32 v12, v10;
	s30 =	spop (v2sf)  }
0x16b: {  	[tilespmem:v9+s28+$0x0] =	vst.idx.msk vm0, v10;
	s23 =	sadd.s32 s10, s30  }
0x16c: {  	p1 =	slt.s32 s23, $0x1  }
.Ltmp9:
0x16d: {  	_ = 	snop;
	(pc) =	sbr.rel @p1 .LBB2_19-.Ltmp9, $1  }
0x16e: {  	_ =	sdelay $0x3  }
0x16f: {  	p2 =	sne.s32 s23, $0x1  }
.Ltmp10:
0x170: {  	_ = 	snop;
	(pc) =	sbr.rel @!p2 .LBB2_9-.Ltmp10, $4  }
0x171: {  	_ = 	snop  }
0x172: {  	s4 =	sshll.u32 s9, $0xF  }
0x173: {  	s8 =	simm.s32 $0x0;
	v12 =	vor.u32 s4, v4;
	v11 =	vor.u32 s4, v5  }
0x174: {  	s10 =	simm.s32 $0x1;
	p1 =	por $0x0, $0x0;
	v10 =	vor.u32 s4, v6;
	v9 =	vor.u32 s4, v7;
	v13 =	vmov s8  }
0x175: {  	_ =	sdelay $0x2  }
0x176: {  	s4 =	sadd.s32 $0x0, s0  }
0x177: {  	v13 =	vld.idx.msk [tilespmem:v13+s28+$0x0], $0xffff;
	s8 =	sshra.s32 s4, $0x1F  }
0x178: {  	s8 =	sshrl.u32 s8, $0x1C  }
0x179: {  	s8 =	sadd.s32 s8, s4  }
0x17a: {  	s8 =	sand.u32 $0xFFFFFFF0, s8  }
0x17b: {  	s8 =	ssub.s32 s4, s8  }
0x17c: {  	p2 =	sgt.s32 s4, $0xF;
	v14 =	vand.u32 $0x7F, v13;
	v15 =	vshll.u32 v13, $0x3;
	p1 =	seq.s32 s8, $0x0  }
0x17d: {  	v15 =	vand.u32 $0xC00, v15;
	v16 =	vor.u32 v12, v14;
	p1 =	por !p2, !p1  }
0x17e: {  	v16 =	vor.u32 v15, v16;
	p1 =	por !p1, !p1  }
0x17f: {  	(v2sf) =	vpush v13, $0x0;
	s4 =	simm.s32 @p1 $0x2  }
0x180: {  	_ =	swait.ge @p1 [sflag:s4], $0x400  }
0x181: {  	[sflag:s4] =	ssyncset.done @p1 $0x0  }
0x182: {  	[sflag:s4] =	ssyncadd.s32 @p1 $0xFFFFFC00  }
0x183: {  	v63 =	vor.u32 v11, v14;
	v13 =	vld.idx.msk [tilespmem:v16+s22+$0x0], $0xffff  }
0x184: {  	v16 =	vor.u32 v15, v63;
	_ =	sdelay $0x1  }
0x185: {  	s21 =	sshll.u32 s8, $0x8  }
0x186: {  	s8 =	sshra.s32 s21, $0x2  }
0x187: {  	[tilespmem:s8+$0x1D000] =	vst v13  }
0x188: {  	v13 =	vor.u32 v10, v14;
	v16 =	vld.idx.msk [tilespmem:v16+s22+$0x0], $0xffff  }
0x189: {  	v13 =	vor.u32 v15, v13;
	_ =	sdelay $0x3  }
0x18a: {  	[tilespmem:s8+$0x1D010] =	vst v16  }
0x18b: {  	v14 =	vor.u32 v9, v14;
	v13 =	vld.idx.msk [tilespmem:v13+s22+$0x0], $0xffff  }
0x18c: {  	v14 =	vor.u32 v15, v14;
	_ =	sdelay $0x3  }
0x18d: {  	[tilespmem:s8+$0x1D020] =	vst v13  }
0x18e: {  	p2 =	sne.s32 s23, $0x2;
	v14 =	vld.idx.msk [tilespmem:v14+s22+$0x0], $0xffff  }
.Ltmp11:
0x18f: {  	_ = 	snop;
	(pc) =	sbr.rel @!p2 .LBB2_15-.Ltmp11, $4  }
0x190: {  	s24 =	spop (v2sf);
	v13 =	vmov s10  }
0x191: {  	s12 =	sadd.s32 $0x10, s31;
	s4 =	sshra.s32 s24, $0x6  }
0x192: {  	s9 =	simm.s32 $0x2;
	s31 =	smov.u32 @p1 s12;
	s30 =	sand.u32 $0x1FFFFFF8, s4  }
0x193: {  	p1 =	por $0x1, $0x1;
	s4 =	sadd.s32 $0x1D000, s8;
	s12 =	sadd.s32 s6, s30;
	[tilespmem:s8+$0x1D030] =	vst v14  }
.LBB2_16:
0x194: {  	[hbm4b:s12+s7] =	stream.linear.scatter [tilespmem:s4], [sflag:$0x2], $0x40, $0x38;
	[tilespmem:$0x1D400] =	vst v63  }
0x195: {  	s4 =	sadd.s32 s10, s0;
	s10 =	smov.u32 s9;
	s9 =	sadd.s32 $0x1, s9;
	v13 =	vld.idx.msk [tilespmem:v13+s28+$0x0], $0xffff  }
0x196: {  	p2 =	sne.s32 s23, s9;
	s8 =	sshra.s32 s4, $0x1F  }
0x197: {  	s8 =	sshrl.u32 s8, $0x1C  }
0x198: {  	s8 =	sadd.s32 s8, s4  }
0x199: {  	s8 =	sand.u32 $0xFFFFFFF0, s8  }
0x19a: {  	s8 =	ssub.s32 s4, s8  }
0x19b: {  	p4 =	sgt.s32 s4, $0xF;
	p3 =	seq.s32 s8, $0x0;
	v14 =	vand.u32 $0x7F, v13;
	v15 =	vshll.u32 v13, $0x3;
	s4 =	sshll.u32 s8, $0x8;
	(v2sf) =	vpush v13, $0x0  }
0x19c: {  	p3 =	por !p4, !p3;
	v13 =	vand.u32 $0xC00, v15;
	v15 =	vor.u32 v12, v14;
	v16 =	vor.u32 v10, v14  }
0x19d: {  	s8 =	sadd.s32 $0x10, s31;
	v17 =	vor.u32 v9, v14;
	p3 =	por !p3, !p3;
	v15 =	vor.u32 v13, v15;
	v16 =	vor.u32 v13, v16  }
0x19e: {  	v17 =	vor.u32 v13, v17;
	s12 =	simm.s32 @p3 $0x2;
	s31 =	smov.u32 @p3 s8  }
0x19f: {  	_ =	swait.ge @p3 [sflag:s12], $0x400  }
0x1a0: {  	[sflag:s12] =	ssyncset.done @p3 $0x0  }
0x1a1: {  	[sflag:s12] =	ssyncadd.s32 @p3 $0xFFFFFC00  }
0x1a2: {  	v15 =	vld.idx.msk [tilespmem:v15+s22+$0x0], $0xffff  }
0x1a3: {  	v14 =	vor.u32 v11, v14  }
0x1a4: {  	v13 =	vor.u32 v13, v14;
	_ =	sdelay $0x2  }
0x1a5: {  	s8 =	sshra.s32 s4, $0x2  }
0x1a6: {  	[tilespmem:s8+$0x1D000] =	vst v15  }
0x1a7: {  	v13 =	vld.idx.msk [tilespmem:v13+s22+$0x0], $0xffff  }
0x1a8: {  	s4 =	spop (v2sf)  }
0x1a9: {  	s4 =	sshra.s32 s4, $0x6  }
0x1aa: {  	s12 =	sand.u32 $0x1FFFFFF8, s4;
	_ =	sdelay $0x2  }
0x1ab: {  	[tilespmem:s8+$0x1D010] =	vst v13  }
0x1ac: {  	v13 =	vld.idx.msk [tilespmem:v16+s22+$0x0], $0xffff;
	_ =	sdelay $0x5  }
0x1ad: {  	[tilespmem:s8+$0x1D020] =	vst v13  }
0x1ae: {  	v14 =	vld.idx.msk [tilespmem:v17+s22+$0x0], $0xffff;
	_ =	sdelay $0x1  }
.Ltmp12:
0x1af: {  	(pc) =	sbr.rel @p2 .LBB2_16-.Ltmp12, $2  }
0x1b0: {  	v13 =	vmov s10;
	_ =	sdelay $0x2  }
0x1b1: {  	s4 =	sadd.s32 $0x1D000, s8;
	s12 =	sadd.s32 s6, s12;
	[tilespmem:s8+$0x1D030] =	vst v14  }
.Ltmp13:
0x1b2: {  	(pc) =	sbr.rel .LBB2_18-.Ltmp13, $2  }
0x1b3: {  	_ =	sdelay $0x2  }
0x1b4: {  	s8 =	smov.u32 s10  }
.LBB2_6:
.Ltmp14:
0x1b5: {  	(pc) =	sbr.rel .LBB2_13-.Ltmp14, $3  }
0x1b6: {  	_ =	sdelay $0x1  }
0x1b7: {  	s4 =	simm.s32 $0x0  }
0x1b8: {  	s21 =	simm.s32 $0x0;
	s24 =	simm.s32 $0x1000;
	s30 =	simm.s32 $0x3000  }
.LBB2_11:
.Ltmp15:
0x1b9: {  	(pc) =	sbr.rel .LBB2_13-.Ltmp15, $3  }
0x1ba: {  	_ =	sdelay $0x1  }
0x1bb: {  	s4 =	simm.s32 $0x0  }
0x1bc: {  	s21 =	simm.s32 $0x0;
	s24 =	simm.s32 $0x1000;
	s30 =	simm.s32 $0x3000  }
.LBB2_15:
.Ltmp16:
0x1bd: {  	(pc) =	sbr.rel .LBB2_18-.Ltmp16, $2  }
0x1be: {  	_ =	sdelay $0x2  }
0x1bf: {  	s8 =	simm.s32 $0x1  }
.LBB2_20:
0x1c0: {  	s0 =	ssub.s32 s0, s31  }
0x1c1: {  	p0 =	slt.s32 s0, $0x1  }
.Ltmp17:
0x1c2: {  	_ = 	snop;
	(pc) =	sbr.rel @p0 .LBB2_24-.Ltmp17, $2  }
0x1c3: {  	_ =	sdelay $0x2  }
0x1c4: {  	s3 =	rddreg [dreg:$0xb]  }
0x1c5: {  	p0 =	sne.s32 s0, $0x1  }
.Ltmp18:
0x1c6: {  	_ = 	snop;
	(pc) =	sbr.rel @!p0 .LBB2_23-.Ltmp18, $3  }
0x1c7: {  	_ =	sdelay $0x1  }
0x1c8: {  	_ =	swait.ge [sflag:s29], $0x40  }
0x1c9: {  	s0 =	sadd.s32 $0xFFFFFFFF, s0;
	[sflag:s29] =	ssyncset.done $0x0  }
.LBB2_22:
0x1ca: {  	p0 =	sne.s32 s0, $0x1;
	s0 =	sadd.s32 $0xFFFFFFFF, s0;
	[sflag:s29] =	ssyncadd.s32 $0xFFFFFFC0  }
.Ltmp19:
0x1cb: {  	(pc) =	sbr.rel @p0 .LBB2_22-.Ltmp19, $3  }
0x1cc: {  	_ =	sdelay $0x1  }
0x1cd: {  	_ =	swait.ge [sflag:s29], $0x40  }
0x1ce: {  	[sflag:s29] =	ssyncset.done $0x0  }
.Ltmp20:
0x1cf: {  	_ = 	snop;
	(pc) =	sbr.rel .LBB2_23-.Ltmp20, $1  }
0x1d0: {  	_ =	sdelay $0x3  }
.LBB2_25:
0x1d1: {  	_ =	sfence.sel $0x180000  }
0x1d2: {  	[bflag:$0x0] =	sbarrier.arrive $0xFFFF  }
0x1d3: {  	_ =	strace $0x90000047  }
0x1d4: {  	s0 =	stileid.u32;
	[bflag:$0x2] =	sbarrier.arrive $0xFFFF  }
0x1d5: {  	p0 =	sne.s32 s0, $0x0;
	s0 =	rddreg [dreg:$0x4]  }
0x1d6: {  	s0 =	sadd.s32 @!p0 $0x100000, s0  }
0x1d7: {  	[sflag:s0] =	ssyncadd.tile.s32 @!p0 $0x1;
	_ =	shalt  }
.Lfunc_end2:
_tile_overlayer_lowered:
.L_overlay_start_2:
0x1d8: {  	(tag) =	ssettag $0x2  }
0x1d9: {  	s0 =	rddreg [dreg:$0x0];
	s2 =	stileid.u32  }
0x1da: {  	s1 =	rddreg [dreg:$0x1];
	p0 =	sne.s32 s2, $0x0  }
0x1db: {  	s3 =	rddreg [dreg:$0x2];
	[bflag:$0x3] =	sbarrier.arrive $0xFFFF;
	s2 =	simm.s32 @!p0 $0x1C03  }
0x1dc: {  	[timem:s3], [sflag:s2] =	dma.local @!p0 [hbm:s0], s1  }
0x1dd: {  	s0 =	simm.s32 @!p0 $0x3  }
0x1de: {  	_ =	swait.ge @!p0 [sflag:s0], s1  }
0x1df: {  	s1 =	ssub.s32 @!p0 $0x0, s1;
	[sflag:s0] =	ssyncset.done @!p0 $0x0  }
0x1e0: {  	[sflag:s0] =	ssyncadd.s32 @!p0 s1  }
0x1e1: {  	[bflag:$0x3] =	sbarrier.arrive $0xFFFF  }
0x1e2: {  	_ =	shalt  }

</sc_bundles>
